<compile_context>
chip_gen: v7x
topology: tpu7x:2x2x1
jax: 0.10.2.dev20260603
libtpu: 0.0.44.dev20260713+nightly
codegen_flags: <defaults>
</compile_context>

<pallas_src>
import functools

import jax
import jax.numpy as jnp
from jax import lax
from jax.experimental import pallas as pl
from jax.experimental.pallas import tpu as pltpu
from jax.experimental.pallas import tpu_sc as plsc

N = 10000
D = 128
E = 320000
NIDX = 5000

NC, NS = 2, 16
NW = NC * NS
EPW = E // NW
CH = 80
NP = NW * 160
OPW = NP // NS
OCH = OPW // CH
NA = NP + 8


def _sc_aggregate(x, src, dst, idx_pad):
  mesh = plsc.VectorSubcoreMesh(core_axis_name="c", subcore_axis_name="s",
                                num_cores=NC, num_subcores=NS)

  @functools.partial(
      pl.kernel,
      out_type=[
          jax.ShapeDtypeStruct((NP, D), jnp.float32),
          jax.ShapeDtypeStruct((NP, D), jnp.float32),
          jax.ShapeDtypeStruct((NP,), jnp.float32),
          jax.ShapeDtypeStruct((NP,), jnp.float32),
      ],
      mesh=mesh,
      compiler_params=pltpu.CompilerParams(needs_layout_passes=False),
      scratch_types=[
          pltpu.VMEM_SHARED((NA, D), jnp.float32),
          pltpu.VMEM_SHARED((NA,), jnp.float32),
          pltpu.VMEM((N,), jnp.int32),
          pltpu.VMEM((NP,), jnp.int32),
          pltpu.VMEM((EPW,), jnp.int32),
          pltpu.VMEM((EPW,), jnp.int32),
          pltpu.VMEM((EPW + CH,), jnp.int32),
          pltpu.VMEM((EPW + CH,), jnp.int32),
          pltpu.VMEM((2, CH), jnp.int32),
          pltpu.VMEM((2, CH, D), jnp.float32),
          pltpu.VMEM((1008,), jnp.float32),
          pltpu.VMEM((16, D), jnp.float32),
          pltpu.VMEM((CH,), jnp.int32),
          pltpu.VMEM((CH,), jnp.int32),
          pltpu.VMEM((CH,), jnp.float32),
          pltpu.VMEM((2, CH), jnp.float32),
          pltpu.SemaphoreType.DMA,
          pltpu.SemaphoreType.DMA,
          pltpu.SemaphoreType.DMA,
          pltpu.SemaphoreType.DMA,
      ],
  )
  def body(x_hbm, src_hbm, dst_hbm, idx_hbm, gs0, gs1, gc0, gc1,
           acc, cacc, mask, idxall, srcall, dstall, srcf, dstf, dstc2, rows,
           ones, zrow, idxc, slotc, gcv, gcv2, sem_w, sem_g, sem_s, sem_c):
    c = lax.axis_index("c")
    s = lax.axis_index("s")
    wid = c * NS + s
    lane = lax.iota(jnp.int32, 16)
    trash16 = NP + (lane & 7)

    ebase = pl.multiple_of(wid * EPW, 8)
    pltpu.async_copy(src_hbm.at[pl.ds(ebase, EPW)], srcall, sem_g)
    pltpu.async_copy(dst_hbm.at[pl.ds(ebase, EPW)], dstall, sem_g)
    pltpu.async_copy(idx_hbm.at[pl.ds(0, NIDX - 8)], idxall.at[pl.ds(0, NIDX - 8)], sem_g)
    pltpu.async_copy(idx_hbm.at[pl.ds(NIDX - 16, 16)], idxall.at[pl.ds(NIDX - 16, 16)], sem_g)

    def fill_ones(i, _):
      ones[pl.ds(i * 16, 16)] = jnp.full((16,), 1.0, jnp.float32)
      return 0
    lax.fori_loop(0, 63, fill_ones, 0)

    def fill_zr(i, _):
      zrow[i // 8, pl.ds((i % 8) * 16, 16)] = jnp.zeros((16,), jnp.float32)
      return 0
    lax.fori_loop(0, 16 * 8, fill_zr, 0)

    def zm(i, _):
      mask[pl.ds(i * 16, 16)] = trash16
      return 0
    lax.fori_loop(0, N // 16, zm, 0)

    @pl.when(s < 5)
    def _():
      pltpu.sync_copy(ones.at[pl.ds(0, 1008)], cacc.at[pl.ds(s * 1008, 1008)])
    @pl.when(s == 5)
    def _():
      pltpu.sync_copy(ones.at[pl.ds(0, NA - 5 * 1008)],
                      cacc.at[pl.ds(5 * 1008, NA - 5 * 1008)])

    zbase = s * OPW + (1 - c) * (OPW // 2)
    def zc(i, _):
      pltpu.sync_copy(zrow, acc.at[pl.ds(zbase + i * 16, 16)])
      return 0
    lax.fori_loop(0, (OPW // 2) // 16, zc, 0)
    @pl.when(s == NS - 1)
    def _():
      pltpu.sync_copy(zrow.at[pl.ds(0, 8)], acc.at[pl.ds(NP, 8)])

    pltpu.make_async_copy(src_hbm.at[pl.ds(ebase, EPW)], srcall, sem_g).wait()
    pltpu.make_async_copy(dst_hbm.at[pl.ds(ebase, EPW)], dstall, sem_g).wait()
    pltpu.make_async_copy(idx_hbm.at[pl.ds(0, NIDX - 8)], idxall.at[pl.ds(0, NIDX - 8)], sem_g).wait()
    pltpu.make_async_copy(idx_hbm.at[pl.ds(NIDX - 16, 16)], idxall.at[pl.ds(NIDX - 16, 16)], sem_g).wait()
    tail = idxall[pl.ds(NIDX - 8, 16)]
    idxall[pl.ds(NIDX - 8, 16)] = jnp.where(lane < 8, tail, 0)
    def zpad(k, _):
      idxall[pl.ds(NIDX + 8 + k * 16, 16)] = jnp.zeros((16,), jnp.int32)
      return 0
    lax.fori_loop(0, (NP - NIDX - 8) // 16, zpad, 0)

    def bm(g, _):
      iv = idxall[pl.ds(g * 16, 16)]
      plsc.store_scatter(mask, [iv], g * 16 + lane)
      return 0
    lax.fori_loop(0, NP // 16, bm, 0)

    def xi(qi, _):
      ob = pl.multiple_of(s * OPW + c * (OPW // 2) + qi * CH, 8)
      def cpi(g, _):
        idxc[pl.ds(g * 16, 16)] = idxall[pl.ds(ob + g * 16, 16)]
        return 0
      lax.fori_loop(0, CH // 16, cpi, 0)
      pltpu.async_copy(x_hbm.at[idxc], rows.at[0], sem_g).wait()
      pltpu.sync_copy(rows.at[0], acc.at[pl.ds(ob, CH)])
      return 0
    lax.fori_loop(0, (OPW // 2) // CH, xi, 0)

    def fb1(g, off):
      sval = srcall[pl.ds(g * 16, 16)]
      dval = dstall[pl.ds(g * 16, 16)]
      mv = plsc.load_gather(mask, [dval])
      keep = mv < NP
      plsc.store_compressed(srcf.at[pl.ds(off, 16)], sval, mask=keep)
      plsc.store_compressed(dstf.at[pl.ds(off, 16)], mv, mask=keep)
      return off + plsc.all_reduce_population_count(keep)[0]
    def fb2(h, off):
      return fb1(2 * h + 1, fb1(2 * h, off))
    off = lax.fori_loop(0, (EPW // 16) // 2, fb2, jnp.int32(0))
    off = fb1(EPW // 16 - 1, off)

    nch = (off + (CH - 1)) // CH
    strash = lane & 7
    def pb(o):
      srcf[pl.ds(o, 16)] = strash
      dstf[pl.ds(o, 16)] = trash16
      return o + 16
    lax.while_loop(lambda o: o < nch * CH, pb, off)

    plsc.subcore_barrier()

    def cpd(q2, b2):
      def cg(g, _):
        dstc2[q2, pl.ds(g * 16, 16)] = dstf[pl.ds(b2 + g * 16, 16)]
        return 0
      lax.fori_loop(0, CH // 16, cg, 0)

    @pl.when(nch > 0)
    def _():
      cpd(0, jnp.int32(0))
      pltpu.async_copy(x_hbm.at[srcf.at[pl.ds(0, CH)]], rows.at[0], sem_g)

    def ebody(j, _):
      p = j % 2
      q = 1 - p
      @pl.when(j > 0)
      def _():
        pltpu.make_async_copy(rows.at[q], acc.at[dstc2.at[q]], sem_s).wait()
        pltpu.make_async_copy(gc0.at[pl.ds(0, CH)], gcv, sem_c).wait()
      @pl.when(j < nch - 1)
      def _():
        cpd(q, (j + 1) * CH)
      pltpu.make_async_copy(x_hbm.at[srcf.at[pl.ds(0, CH)]], rows.at[p],
                            sem_g).wait()
      @pl.when(j < nch - 1)
      def _():
        bn = pl.multiple_of((j + 1) * CH, 8)
        pltpu.async_copy(x_hbm.at[srcf.at[pl.ds(bn, CH)]], rows.at[q], sem_g)
      pltpu.async_copy(rows.at[p], acc.at[dstc2.at[p]], sem_s, add=True)
      pltpu.async_copy(ones.at[pl.ds(0, CH)], cacc.at[dstc2.at[p]], sem_c,
                       add=True)
      return 0
    lax.fori_loop(0, nch, ebody, 0)
    @pl.when(nch > 0)
    def _():
      p = (nch - 1) % 2
      pltpu.make_async_copy(rows.at[p], acc.at[dstc2.at[p]], sem_s).wait()
      pltpu.make_async_copy(gc0.at[pl.ds(0, CH)], gcv, sem_c).wait()

    plsc.subcore_barrier()

    def gbody(qi, _):
      p = qi % 2
      ob = pl.multiple_of(s * OPW + qi * CH, 8)
      obp = pl.multiple_of(s * OPW + (qi - 1) * CH, 8)
      @pl.when(qi > 0)
      def _():
        pltpu.make_async_copy(rows.at[1 - p], gs0.at[pl.ds(ob, CH)],
                              sem_w).wait()
        pltpu.make_async_copy(gcv2.at[1 - p], gc0.at[pl.ds(ob, CH)],
                              sem_w).wait()
      def sl(g, _):
        iv = idxall[pl.ds(ob + g * 16, 16)]
        slotc[pl.ds(g * 16, 16)] = plsc.load_gather(mask, [iv])
        return 0
      lax.fori_loop(0, CH // 16, sl, 0)
      d1 = pltpu.async_copy(acc.at[slotc], rows.at[p], sem_g)
      d2 = pltpu.async_copy(cacc.at[slotc], gcv2.at[p], sem_c)
      d1.wait()
      d2.wait()
      @pl.when(c == 0)
      def _():
        pltpu.async_copy(rows.at[p], gs0.at[pl.ds(ob, CH)], sem_w)
        pltpu.async_copy(gcv2.at[p], gc0.at[pl.ds(ob, CH)], sem_w)
      @pl.when(c == 1)
      def _():
        pltpu.async_copy(rows.at[p], gs1.at[pl.ds(ob, CH)], sem_w)
        pltpu.async_copy(gcv2.at[p], gc1.at[pl.ds(ob, CH)], sem_w)
      return 0
    lax.fori_loop(0, OCH, gbody, 0)
    pf = (OCH - 1) % 2
    pltpu.make_async_copy(rows.at[pf], gs0.at[pl.ds(0, CH)], sem_w).wait()
    pltpu.make_async_copy(gcv2.at[pf], gc0.at[pl.ds(0, CH)], sem_w).wait()

  return body(x, src, dst, idx_pad)


def _tc_finalize(gs0, gs1, gc0, gc1, W, b2):
  BR = 1000

  def body(g0_ref, g1_ref, c0_ref, c1_ref, w_ref, b_ref, o_ref):
    g = g0_ref[...] + g1_ref[...]
    cnt = c0_ref[...] + c1_ref[...] - 1.0
    m = g / cnt
    o_ref[...] = lax.dot_general(
        m, w_ref[...], (((1,), (1,)), ((), ())),
        preferred_element_type=jnp.float32) + b_ref[...]

  return pl.pallas_call(
      body,
      grid=(NIDX // BR,),
      in_specs=[
          pl.BlockSpec((BR, D), lambda i: (i, 0)),
          pl.BlockSpec((BR, D), lambda i: (i, 0)),
          pl.BlockSpec((BR, 1), lambda i: (i, 0)),
          pl.BlockSpec((BR, 1), lambda i: (i, 0)),
          pl.BlockSpec((D, D), lambda i: (0, 0)),
          pl.BlockSpec((1, D), lambda i: (0, 0)),
      ],
      out_specs=pl.BlockSpec((BR, D), lambda i: (i, 0)),
      out_shape=jax.ShapeDtypeStruct((NIDX, D), jnp.float32),
  )(gs0, gs1, gc0, gc1, W, b2)


def kernel(x, edge_index, idx, W, b):
  ei = edge_index.astype(jnp.int32)
  idx32 = idx.astype(jnp.int32)
  gs0, gs1, gc0, gc1 = _sc_aggregate(x, ei[0], ei[1], idx32)
  out = _tc_finalize(gs0, gs1, gc0.reshape(NP, 1), gc1.reshape(NP, 1),
                     W, b.reshape(1, D))
  return out, idx

# --- scband reference (transcript-rebuilt; emitter-appended) ---
"""Pipeline reference for scband-onset-edge-pooling-version2-4750233830165 (READ-ONLY COPY).

The authoritative reference and input builder live on the scoring server;
editing this copy changes nothing except your own understanding.
"""

import jax, jax.numpy as jnp
import numpy as np

N = 10000
E = 320000
D = 128
NIDX = 5000


def setup_inputs(seed: int = 0) -> dict:
    key = jax.random.key(seed)
    k1, k2, k3, k4, k5 = jax.random.split(key, 5)
    x = jax.random.normal(k1, (N, D), dtype=jnp.float32)
    edge_index = jax.random.randint(k2, (2, E), 0, N)
    idx = jax.random.randint(k3, (NIDX,), 0, N)
    # parameters of nn.Linear(in_channels, in_channels)
    bound = 1.0 / np.sqrt(D)
    W = jax.random.uniform(k4, (D, D), dtype=jnp.float32, minval=-bound, maxval=bound)
    b = jax.random.uniform(k5, (D,), dtype=jnp.float32, minval=-bound, maxval=bound)
    return {"x": x, "edge_index": edge_index, "idx": idx, "W": W, "b": b}


def reference(x, edge_index, idx, W, b):
    # t = self.trans(x)
    t = x @ W.T + b
    # add self-loops: edge_index_sl = cat([edge_index, arange.repeat(2,1)], dim=1)
    ar = jnp.arange(N, dtype=edge_index.dtype)
    src = jnp.concatenate([edge_index[0], ar])
    dst = jnp.concatenate([edge_index[1], ar])
    # h = scatter(t[src], dst, dim=0, out=zeros, reduce='mean')
    gathered = jnp.take(t, src, axis=0)
    sums = jax.ops.segment_sum(gathered, dst, num_segments=N)
    counts = jax.ops.segment_sum(jnp.ones_like(dst, dtype=t.dtype), dst, num_segments=N)
    h = jnp.where(counts[:, None] > 0, sums / jnp.maximum(counts, 1.0)[:, None], 0.0)
    # idx is provided -> out = h[idx]
    out = jnp.take(h, idx, axis=0)
    return (out, idx)

if __name__ == "__main__":
    import jax
    _d = setup_inputs()
    print(jax.jit(kernel)(*tuple(_d.values())))

</pallas_src>

<mosaic_0001>
#map = affine_map<(d0, d1) -> (0, 0)>
#map1 = affine_map<(d0, d1) -> (0)>
module attributes {stable_mosaic.version = 14 : i64} {
  func.func @body(%arg0: i32, %arg1: i32, %arg2: memref<10000x128xf32, #tpu.memory_space<hbm>>, %arg3: memref<320000xi32, #tpu.memory_space<hbm>>, %arg4: memref<320000xi32, #tpu.memory_space<hbm>>, %arg5: memref<5000xi32, #tpu.memory_space<hbm>>, %arg6: memref<5120x128xf32, #tpu.memory_space<hbm>>, %arg7: memref<5120x128xf32, #tpu.memory_space<hbm>>, %arg8: memref<5120xf32, #tpu.memory_space<hbm>>, %arg9: memref<5120xf32, #tpu.memory_space<hbm>>, %arg10: memref<5128x128xf32, #tpu.memory_space<vmem_shared>>, %arg11: memref<5128xf32, #tpu.memory_space<vmem_shared>>, %arg12: memref<10000xi32, #tpu.memory_space<vmem>>, %arg13: memref<5120xi32, #tpu.memory_space<vmem>>, %arg14: memref<10000xi32, #tpu.memory_space<vmem>>, %arg15: memref<10000xi32, #tpu.memory_space<vmem>>, %arg16: memref<10080xi32, #tpu.memory_space<vmem>>, %arg17: memref<10080xi32, #tpu.memory_space<vmem>>, %arg18: memref<2x80xi32, #tpu.memory_space<vmem>>, %arg19: memref<2x80x128xf32, #tpu.memory_space<vmem>>, %arg20: memref<1008xf32, #tpu.memory_space<vmem>>, %arg21: memref<16x128xf32, #tpu.memory_space<vmem>>, %arg22: memref<80xi32, #tpu.memory_space<vmem>>, %arg23: memref<80xi32, #tpu.memory_space<vmem>>, %arg24: memref<80xf32, #tpu.memory_space<vmem>>, %arg25: memref<2x80xf32, #tpu.memory_space<vmem>>, %arg26: memref<!tpu.dma_semaphore, #tpu.memory_space<semaphore_mem>>, %arg27: memref<!tpu.dma_semaphore, #tpu.memory_space<semaphore_mem>>, %arg28: memref<!tpu.dma_semaphore, #tpu.memory_space<semaphore_mem>>, %arg29: memref<!tpu.dma_semaphore, #tpu.memory_space<semaphore_mem>>) attributes {dimension_semantics = [#tpu.dimension_semantics<core_parallel>, #tpu.dimension_semantics<subcore_parallel>], iteration_bounds = array<i64: 2, 16>, scalar_prefetch = 0 : i64, scratch_operands = 20 : i64, tpu.core_type = #tpu.core_type<sc_vector_subcore>, window_params = [{transform_indices = #map}, {transform_indices = #map1}, {transform_indices = #map1}, {transform_indices = #map1}, {transform_indices = #map}, {transform_indices = #map}, {transform_indices = #map1}, {transform_indices = #map1}]} {
    %mul3A = arith.constant 16 : i32
    %mul3A_0 = arith.muli %arg0, %mul3A : i32
    %add3A = arith.addi %mul3A_0, %arg1 : i32
    %iota3A = tpu.iota {dimensions = array<i32: 0>} : vector<16xi32>
    %and3A = arith.constant 7 : i32
    %and3A_1 = vector.broadcast %and3A : i32 to vector<16xi32>
    %and3A_2 = arith.andi %iota3A, %and3A_1 : vector<16xi32>
    %add3A_3 = arith.constant 5120 : i32
    %add3A_4 = vector.broadcast %add3A_3 : i32 to vector<16xi32>
    %add3A_5 = arith.addi %add3A_4, %and3A_2 : vector<16xi32>
    %mul3A_6 = arith.constant 10000 : i32
    %mul3A_7 = arith.muli %add3A, %mul3A_6 : i32
    %multiple_of3A = tpu.assume_multiple %mul3A_7, 8 : i32
    %dma_start3A = tpu.memref_slice %arg3[%multiple_of3A] : memref<320000xi32, #tpu.memory_space<hbm>> -> memref<10000xi32, #tpu.memory_space<hbm>>
    %dma_start3A_8 = tpu.memref_slice %arg3[%multiple_of3A] : memref<320000xi32, #tpu.memory_space<hbm>> -> memref<10000xi32, #tpu.memory_space<hbm>>
    tpu.enqueue_dma source(%dma_start3A_8 : memref<10000xi32, #tpu.memory_space<hbm>>) target(%arg14 : memref<10000xi32, #tpu.memory_space<vmem>>) target_semaphore(%arg27 : memref<!tpu.dma_semaphore, #tpu.memory_space<semaphore_mem>>)
    %dma_start3A_9 = tpu.memref_slice %arg4[%multiple_of3A] : memref<320000xi32, #tpu.memory_space<hbm>> -> memref<10000xi32, #tpu.memory_space<hbm>>
    %dma_start3A_10 = tpu.memref_slice %arg4[%multiple_of3A] : memref<320000xi32, #tpu.memory_space<hbm>> -> memref<10000xi32, #tpu.memory_space<hbm>>
    tpu.enqueue_dma source(%dma_start3A_10 : memref<10000xi32, #tpu.memory_space<hbm>>) target(%arg15 : memref<10000xi32, #tpu.memory_space<vmem>>) target_semaphore(%arg27 : memref<!tpu.dma_semaphore, #tpu.memory_space<semaphore_mem>>)
    %dma_start3A_11 = arith.constant 0 : i32
    %dma_start3A_12 = tpu.memref_slice %arg13[%dma_start3A_11] : memref<5120xi32, #tpu.memory_space<vmem>> -> memref<4992xi32, #tpu.memory_space<vmem>>
    %dma_start3A_13 = arith.constant 0 : i32
    %dma_start3A_14 = tpu.memref_slice %arg5[%dma_start3A_13] : memref<5000xi32, #tpu.memory_space<hbm>> -> memref<4992xi32, #tpu.memory_space<hbm>>
    %dma_start3A_15 = arith.constant 0 : i32
    %dma_start3A_16 = tpu.memref_slice %arg13[%dma_start3A_15] : memref<5120xi32, #tpu.memory_space<vmem>> -> memref<4992xi32, #tpu.memory_space<vmem>>
    %dma_start3A_17 = arith.constant 0 : i32
    %dma_start3A_18 = tpu.memref_slice %arg5[%dma_start3A_17] : memref<5000xi32, #tpu.memory_space<hbm>> -> memref<4992xi32, #tpu.memory_space<hbm>>
    tpu.enqueue_dma source(%dma_start3A_18 : memref<4992xi32, #tpu.memory_space<hbm>>) target(%dma_start3A_16 : memref<4992xi32, #tpu.memory_space<vmem>>) target_semaphore(%arg27 : memref<!tpu.dma_semaphore, #tpu.memory_space<semaphore_mem>>)
    %dma_start3A_19 = arith.constant 4984 : i32
    %dma_start3A_20 = tpu.memref_slice %arg13[%dma_start3A_19] : memref<5120xi32, #tpu.memory_space<vmem>> -> memref<16xi32, #tpu.memory_space<vmem>>
    %dma_start3A_21 = arith.constant 4984 : i32
    %dma_start3A_22 = tpu.memref_slice %arg5[%dma_start3A_21] : memref<5000xi32, #tpu.memory_space<hbm>> -> memref<16xi32, #tpu.memory_space<hbm>>
    %dma_start3A_23 = arith.constant 4984 : i32
    %dma_start3A_24 = tpu.memref_slice %arg13[%dma_start3A_23] : memref<5120xi32, #tpu.memory_space<vmem>> -> memref<16xi32, #tpu.memory_space<vmem>>
    %dma_start3A_25 = arith.constant 4984 : i32
    %dma_start3A_26 = tpu.memref_slice %arg5[%dma_start3A_25] : memref<5000xi32, #tpu.memory_space<hbm>> -> memref<16xi32, #tpu.memory_space<hbm>>
    tpu.enqueue_dma source(%dma_start3A_26 : memref<16xi32, #tpu.memory_space<hbm>>) target(%dma_start3A_24 : memref<16xi32, #tpu.memory_space<vmem>>) target_semaphore(%arg27 : memref<!tpu.dma_semaphore, #tpu.memory_space<semaphore_mem>>)
    %scan3A = arith.constant 0 : i32
    %scan3A_27 = arith.constant 0 : i32
    %scan3A_28 = arith.constant 63 : i32
    %scan3A_29 = arith.addi %scan3A_27, %scan3A_28 : i32
    %scan3A_30 = arith.constant 1 : i32
    %scan3A_31 = scf.for %scan3A_215 = %scan3A_27 to %scan3A_29 step %scan3A_30 iter_args(%scan3A_216 = %scan3A) -> (i32)  : i32 {
      %broadcast_in_dim3A_217 = arith.constant 1.000000e+00 : f32
      %broadcast_in_dim3A_218 = vector.broadcast %broadcast_in_dim3A_217 : f32 to vector<16xf32>
      %mul3A_219 = arith.constant 16 : i32
      %mul3A_220 = arith.muli %scan3A_215, %mul3A_219 : i32
      %swap3A_221 = arith.index_cast %mul3A_220 : i32 to index
      %swap3A_222 = tpu.vector_load %arg20[%swap3A_221] {strides = array<i32>} : memref<1008xf32, #tpu.memory_space<vmem>>, vector<16xf32>,
      tpu.vector_store %arg20[%swap3A_221], %broadcast_in_dim3A_218 {strides = array<i32>} : memref<1008xf32, #tpu.memory_space<vmem>>, vector<16xf32>,
      %scan3A_223 = arith.constant 0 : i32
      scf.yield %scan3A_223 : i32
    }
    %scan3A_32 = arith.constant 63 : i32
    %scan3A_33 = arith.constant 0 : i32
    %scan3A_34 = arith.constant 0 : i32
    %scan3A_35 = arith.constant 128 : i32
    %scan3A_36 = arith.addi %scan3A_34, %scan3A_35 : i32
    %scan3A_37 = arith.constant 1 : i32
    %scan3A_38 = scf.for %scan3A_215 = %scan3A_34 to %scan3A_36 step %scan3A_37 iter_args(%scan3A_216 = %scan3A_33) -> (i32)  : i32 {
      %broadcast_in_dim3A_217 = arith.constant 0.000000e+00 : f32
      %broadcast_in_dim3A_218 = vector.broadcast %broadcast_in_dim3A_217 : f32 to vector<16xf32>
      %jit3A_219 = arith.constant 8 : i32
      %div3A_220 = arith.divsi %scan3A_215, %jit3A_219 : i32
      %sign3A_221 = arith.constant 0 : i32
      %sign3A_222 = arith.cmpi sgt, %scan3A_215, %sign3A_221 : i32
      %sign3A_223 = arith.extui %sign3A_222 : i1 to i32
      %sign3A_224 = arith.constant 0 : i32
      %sign3A_225 = arith.cmpi slt, %scan3A_215, %sign3A_224 : i32
      %sign3A_226 = arith.extui %sign3A_225 : i1 to i32
      %sign3A_227 = arith.subi %sign3A_223, %sign3A_226 : i32
      %sign3A_228 = arith.constant 0 : i32
      %sign3A_229 = arith.cmpi sgt, %jit3A_219, %sign3A_228 : i32
      %sign3A_230 = arith.extui %sign3A_229 : i1 to i32
      %sign3A_231 = arith.constant 0 : i32
      %sign3A_232 = arith.cmpi slt, %jit3A_219, %sign3A_231 : i32
      %sign3A_233 = arith.extui %sign3A_232 : i1 to i32
      %sign3A_234 = arith.subi %sign3A_230, %sign3A_233 : i32
      %ne3A_235 = arith.cmpi ne, %sign3A_227, %sign3A_234 : i32
      %rem3A_236 = arith.remsi %scan3A_215, %jit3A_219 : i32
      %ne3A_237 = arith.constant 0 : i32
      %ne3A_238 = arith.cmpi ne, %rem3A_236, %ne3A_237 : i32
      %and3A_239 = arith.andi %ne3A_235, %ne3A_238 : i1
      %sub3A_240 = arith.constant 1 : i32
      %sub3A_241 = arith.subi %div3A_220, %sub3A_240 : i32
      %select_n3A_242 = arith.select %and3A_239, %sub3A_241, %div3A_220 : i32
      %jit3A_243 = arith.constant 8 : i32
      %eq3A_244 = arith.constant 0 : i32
      %eq3A_245 = arith.cmpi eq, %jit3A_243, %eq3A_244 : i32
      %jit3A_246 = arith.constant 1 : i32
      %select_n3A_247 = arith.select %eq3A_245, %jit3A_246, %jit3A_243 : i32
      %rem3A_248 = arith.remsi %scan3A_215, %select_n3A_247 : i32
      %ne3A_249 = arith.constant 0 : i32
      %ne3A_250 = arith.cmpi ne, %rem3A_248, %ne3A_249 : i32
      %lt3A_251 = arith.constant 0 : i32
      %lt3A_252 = arith.cmpi slt, %rem3A_248, %lt3A_251 : i32
      %lt3A_253 = arith.constant 0 : i32
      %lt3A_254 = arith.cmpi slt, %select_n3A_247, %lt3A_253 : i32
      %ne3A_255 = arith.xori %lt3A_252, %lt3A_254 : i1
      %and3A_256 = arith.andi %ne3A_255, %ne3A_250 : i1
      %add3A_257 = arith.addi %rem3A_248, %select_n3A_247 : i32
      %select_n3A_258 = arith.select %and3A_256, %add3A_257, %rem3A_248 : i32
      %mul3A_259 = arith.constant 16 : i32
      %mul3A_260 = arith.muli %select_n3A_258, %mul3A_259 : i32
      %swap3A_261 = arith.index_cast %select_n3A_242 : i32 to index
      %swap3A_262 = arith.index_cast %mul3A_260 : i32 to index
      %swap3A_263 = tpu.vector_load %arg21[%swap3A_261, %swap3A_262] {strides = array<i32>} : memref<16x128xf32, #tpu.memory_space<vmem>>, vector<16xf32>,
      tpu.vector_store %arg21[%swap3A_261, %swap3A_262], %broadcast_in_dim3A_218 {strides = array<i32>} : memref<16x128xf32, #tpu.memory_space<vmem>>, vector<16xf32>,
      %scan3A_264 = arith.constant 0 : i32
      scf.yield %scan3A_264 : i32
    }
    %scan3A_39 = arith.constant 128 : i32
    %scan3A_40 = arith.constant 0 : i32
    %scan3A_41 = arith.constant 0 : i32
    %scan3A_42 = arith.constant 625 : i32
    %scan3A_43 = arith.addi %scan3A_41, %scan3A_42 : i32
    %scan3A_44 = arith.constant 1 : i32
    %scan3A_45 = scf.for %scan3A_215 = %scan3A_41 to %scan3A_43 step %scan3A_44 iter_args(%scan3A_216 = %scan3A_40) -> (i32)  : i32 {
      %mul3A_217 = arith.constant 16 : i32
      %mul3A_218 = arith.muli %scan3A_215, %mul3A_217 : i32
      %swap3A_219 = arith.index_cast %mul3A_218 : i32 to index
      %swap3A_220 = tpu.vector_load %arg12[%swap3A_219] {strides = array<i32>} : memref<10000xi32, #tpu.memory_space<vmem>>, vector<16xi32>,
      tpu.vector_store %arg12[%swap3A_219], %add3A_5 {strides = array<i32>} : memref<10000xi32, #tpu.memory_space<vmem>>, vector<16xi32>,
      %scan3A_221 = arith.constant 0 : i32
      scf.yield %scan3A_221 : i32
    }
    %scan3A_46 = arith.constant 625 : i32
    %lt3A = arith.constant 5 : i32
    %lt3A_47 = arith.cmpi slt, %arg1, %lt3A : i32
    %convert_element_type3A = arith.extui %lt3A_47 : i1 to i32
    %cond3A = arith.constant 0 : i32
    %cond3A_48 = arith.cmpi ne, %convert_element_type3A, %cond3A : i32
    scf.if %cond3A_48 {
      %mul3A_215 = arith.constant 1008 : i32
      %mul3A_216 = arith.muli %arg1, %mul3A_215 : i32
      "tpu.region"() ({
        %run_scoped3A = tpu.sem_alloc : memref<!tpu.dma_semaphore, #tpu.memory_space<semaphore_mem>>
        %dma_start3A_217 = arith.constant 0 : i32
        %dma_start3A_218 = tpu.memref_slice %arg20[%dma_start3A_217] : memref<1008xf32, #tpu.memory_space<vmem>> -> memref<1008xf32, #tpu.memory_space<vmem>>
        %dma_start3A_219 = tpu.memref_slice %arg11[%mul3A_216] : memref<5128xf32, #tpu.memory_space<vmem_shared>> -> memref<1008xf32, #tpu.memory_space<vmem_shared>>
        %dma_start3A_220 = tpu.memref_slice %arg11[%mul3A_216] : memref<5128xf32, #tpu.memory_space<vmem_shared>> -> memref<1008xf32, #tpu.memory_space<vmem_shared>>
        %dma_start3A_221 = arith.constant 0 : i32
        %dma_start3A_222 = tpu.memref_slice %arg20[%dma_start3A_221] : memref<1008xf32, #tpu.memory_space<vmem>> -> memref<1008xf32, #tpu.memory_space<vmem>>
        tpu.enqueue_dma source(%dma_start3A_222 : memref<1008xf32, #tpu.memory_space<vmem>>) target(%dma_start3A_220 : memref<1008xf32, #tpu.memory_space<vmem_shared>>) target_semaphore(%run_scoped3A : memref<!tpu.dma_semaphore, #tpu.memory_space<semaphore_mem>>)
        %dma_wait3A_223 = arith.constant 0 : i32
        %dma_wait3A_224 = tpu.memref_slice %arg20[%dma_wait3A_223] : memref<1008xf32, #tpu.memory_space<vmem>> -> memref<1008xf32, #tpu.memory_space<vmem>>
        %dma_wait3A_225 = tpu.memref_slice %arg11[%mul3A_216] : memref<5128xf32, #tpu.memory_space<vmem_shared>> -> memref<1008xf32, #tpu.memory_space<vmem_shared>>
        %dma_wait3A_226 = tpu.memref_slice %arg11[%mul3A_216] : memref<5128xf32, #tpu.memory_space<vmem_shared>> -> memref<1008xf32, #tpu.memory_space<vmem_shared>>
        %dma_wait3A_227 = arith.constant 0 : i32
        %dma_wait3A_228 = tpu.memref_slice %arg20[%dma_wait3A_227] : memref<1008xf32, #tpu.memory_space<vmem>> -> memref<1008xf32, #tpu.memory_space<vmem>>
        tpu.wait_dma2 semaphore(%run_scoped3A : memref<!tpu.dma_semaphore, #tpu.memory_space<semaphore_mem>>) src(%dma_wait3A_228 : memref<1008xf32, #tpu.memory_space<vmem>>) dst(%dma_wait3A_226 : memref<1008xf32, #tpu.memory_space<vmem_shared>>)
        tpu.yield
      }) : () -> ()
    } else {
    }
    %eq3A = arith.constant 5 : i32
    %eq3A_49 = arith.cmpi eq, %arg1, %eq3A : i32
    %convert_element_type3A_50 = arith.extui %eq3A_49 : i1 to i32
    %cond3A_51 = arith.constant 0 : i32
    %cond3A_52 = arith.cmpi ne, %convert_element_type3A_50, %cond3A_51 : i32
    scf.if %cond3A_52 {
      "tpu.region"() ({
        %run_scoped3A = tpu.sem_alloc : memref<!tpu.dma_semaphore, #tpu.memory_space<semaphore_mem>>
        %dma_start3A_215 = arith.constant 0 : i32
        %dma_start3A_216 = tpu.memref_slice %arg20[%dma_start3A_215] : memref<1008xf32, #tpu.memory_space<vmem>> -> memref<88xf32, #tpu.memory_space<vmem>>
        %dma_start3A_217 = arith.constant 5040 : i32
        %dma_start3A_218 = tpu.memref_slice %arg11[%dma_start3A_217] : memref<5128xf32, #tpu.memory_space<vmem_shared>> -> memref<88xf32, #tpu.memory_space<vmem_shared>>
        %dma_start3A_219 = arith.constant 5040 : i32
        %dma_start3A_220 = tpu.memref_slice %arg11[%dma_start3A_219] : memref<5128xf32, #tpu.memory_space<vmem_shared>> -> memref<88xf32, #tpu.memory_space<vmem_shared>>
        %dma_start3A_221 = arith.constant 0 : i32
        %dma_start3A_222 = tpu.memref_slice %arg20[%dma_start3A_221] : memref<1008xf32, #tpu.memory_space<vmem>> -> memref<88xf32, #tpu.memory_space<vmem>>
        tpu.enqueue_dma source(%dma_start3A_222 : memref<88xf32, #tpu.memory_space<vmem>>) target(%dma_start3A_220 : memref<88xf32, #tpu.memory_space<vmem_shared>>) target_semaphore(%run_scoped3A : memref<!tpu.dma_semaphore, #tpu.memory_space<semaphore_mem>>)
        %dma_wait3A_223 = arith.constant 0 : i32
        %dma_wait3A_224 = tpu.memref_slice %arg20[%dma_wait3A_223] : memref<1008xf32, #tpu.memory_space<vmem>> -> memref<88xf32, #tpu.memory_space<vmem>>
        %dma_wait3A_225 = arith.constant 5040 : i32
        %dma_wait3A_226 = tpu.memref_slice %arg11[%dma_wait3A_225] : memref<5128xf32, #tpu.memory_space<vmem_shared>> -> memref<88xf32, #tpu.memory_space<vmem_shared>>
        %dma_wait3A_227 = arith.constant 5040 : i32
        %dma_wait3A_228 = tpu.memref_slice %arg11[%dma_wait3A_227] : memref<5128xf32, #tpu.memory_space<vmem_shared>> -> memref<88xf32, #tpu.memory_space<vmem_shared>>
        %dma_wait3A_229 = arith.constant 0 : i32
        %dma_wait3A_230 = tpu.memref_slice %arg20[%dma_wait3A_229] : memref<1008xf32, #tpu.memory_space<vmem>> -> memref<88xf32, #tpu.memory_space<vmem>>
        tpu.wait_dma2 semaphore(%run_scoped3A : memref<!tpu.dma_semaphore, #tpu.memory_space<semaphore_mem>>) src(%dma_wait3A_230 : memref<88xf32, #tpu.memory_space<vmem>>) dst(%dma_wait3A_228 : memref<88xf32, #tpu.memory_space<vmem_shared>>)
        tpu.yield
      }) : () -> ()
    } else {
    }
    %mul3A_53 = arith.constant 320 : i32
    %mul3A_54 = arith.muli %arg1, %mul3A_53 : i32
    %sub3A = arith.constant 1 : i32
    %sub3A_55 = arith.subi %sub3A, %arg0 : i32
    %mul3A_56 = arith.constant 160 : i32
    %mul3A_57 = arith.muli %sub3A_55, %mul3A_56 : i32
    %add3A_58 = arith.addi %mul3A_54, %mul3A_57 : i32
    %scan3A_59 = arith.constant 0 : i32
    %scan3A_60 = arith.constant 0 : i32
    %scan3A_61 = arith.constant 10 : i32
    %scan3A_62 = arith.addi %scan3A_60, %scan3A_61 : i32
    %scan3A_63 = arith.constant 1 : i32
    %scan3A_64 = scf.for %scan3A_215 = %scan3A_60 to %scan3A_62 step %scan3A_63 iter_args(%scan3A_216 = %scan3A_59) -> (i32)  : i32 {
      %mul3A_217 = arith.constant 16 : i32
      %mul3A_218 = arith.muli %scan3A_215, %mul3A_217 : i32
      %add3A_219 = arith.addi %add3A_58, %mul3A_218 : i32
      "tpu.region"() ({
        %run_scoped3A = tpu.sem_alloc : memref<!tpu.dma_semaphore, #tpu.memory_space<semaphore_mem>>
        %dma_start3A_221 = arith.constant 0 : i32
        %dma_start3A_222 = tpu.memref_slice %arg10[%add3A_219, %dma_start3A_221] : memref<5128x128xf32, #tpu.memory_space<vmem_shared>> -> memref<16x128xf32, #tpu.memory_space<vmem_shared>>
        %dma_start3A_223 = arith.constant 0 : i32
        %dma_start3A_224 = tpu.memref_slice %arg10[%add3A_219, %dma_start3A_223] : memref<5128x128xf32, #tpu.memory_space<vmem_shared>> -> memref<16x128xf32, #tpu.memory_space<vmem_shared>>
        tpu.enqueue_dma source(%arg21 : memref<16x128xf32, #tpu.memory_space<vmem>>) target(%dma_start3A_224 : memref<16x128xf32, #tpu.memory_space<vmem_shared>>) target_semaphore(%run_scoped3A : memref<!tpu.dma_semaphore, #tpu.memory_space<semaphore_mem>>)
        %dma_wait3A_225 = arith.constant 0 : i32
        %dma_wait3A_226 = tpu.memref_slice %arg10[%add3A_219, %dma_wait3A_225] : memref<5128x128xf32, #tpu.memory_space<vmem_shared>> -> memref<16x128xf32, #tpu.memory_space<vmem_shared>>
        %dma_wait3A_227 = arith.constant 0 : i32
        %dma_wait3A_228 = tpu.memref_slice %arg10[%add3A_219, %dma_wait3A_227] : memref<5128x128xf32, #tpu.memory_space<vmem_shared>> -> memref<16x128xf32, #tpu.memory_space<vmem_shared>>
        tpu.wait_dma2 semaphore(%run_scoped3A : memref<!tpu.dma_semaphore, #tpu.memory_space<semaphore_mem>>) src(%arg21 : memref<16x128xf32, #tpu.memory_space<vmem>>) dst(%dma_wait3A_228 : memref<16x128xf32, #tpu.memory_space<vmem_shared>>)
        tpu.yield
      }) : () -> ()
      %scan3A_220 = arith.constant 0 : i32
      scf.yield %scan3A_220 : i32
    }
    %scan3A_65 = arith.constant 10 : i32
    %eq3A_66 = arith.constant 15 : i32
    %eq3A_67 = arith.cmpi eq, %arg1, %eq3A_66 : i32
    %convert_element_type3A_68 = arith.extui %eq3A_67 : i1 to i32
    %cond3A_69 = arith.constant 0 : i32
    %cond3A_70 = arith.cmpi ne, %convert_element_type3A_68, %cond3A_69 : i32
    scf.if %cond3A_70 {
      "tpu.region"() ({
        %run_scoped3A = tpu.sem_alloc : memref<!tpu.dma_semaphore, #tpu.memory_space<semaphore_mem>>
        %dma_start3A_215 = arith.constant 0 : i32
        %dma_start3A_216 = arith.constant 0 : i32
        %dma_start3A_217 = tpu.memref_slice %arg21[%dma_start3A_215, %dma_start3A_216] : memref<16x128xf32, #tpu.memory_space<vmem>> -> memref<8x128xf32, #tpu.memory_space<vmem>>
        %dma_start3A_218 = arith.constant 5120 : i32
        %dma_start3A_219 = arith.constant 0 : i32
        %dma_start3A_220 = tpu.memref_slice %arg10[%dma_start3A_218, %dma_start3A_219] : memref<5128x128xf32, #tpu.memory_space<vmem_shared>> -> memref<8x128xf32, #tpu.memory_space<vmem_shared>>
        %dma_start3A_221 = arith.constant 5120 : i32
        %dma_start3A_222 = arith.constant 0 : i32
        %dma_start3A_223 = tpu.memref_slice %arg10[%dma_start3A_221, %dma_start3A_222] : memref<5128x128xf32, #tpu.memory_space<vmem_shared>> -> memref<8x128xf32, #tpu.memory_space<vmem_shared>>
        %dma_start3A_224 = arith.constant 0 : i32
        %dma_start3A_225 = arith.constant 0 : i32
        %dma_start3A_226 = tpu.memref_slice %arg21[%dma_start3A_224, %dma_start3A_225] : memref<16x128xf32, #tpu.memory_space<vmem>> -> memref<8x128xf32, #tpu.memory_space<vmem>>
        tpu.enqueue_dma source(%dma_start3A_226 : memref<8x128xf32, #tpu.memory_space<vmem>>) target(%dma_start3A_223 : memref<8x128xf32, #tpu.memory_space<vmem_shared>>) target_semaphore(%run_scoped3A : memref<!tpu.dma_semaphore, #tpu.memory_space<semaphore_mem>>)
        %dma_wait3A_227 = arith.constant 0 : i32
        %dma_wait3A_228 = arith.constant 0 : i32
        %dma_wait3A_229 = tpu.memref_slice %arg21[%dma_wait3A_227, %dma_wait3A_228] : memref<16x128xf32, #tpu.memory_space<vmem>> -> memref<8x128xf32, #tpu.memory_space<vmem>>
        %dma_wait3A_230 = arith.constant 5120 : i32
        %dma_wait3A_231 = arith.constant 0 : i32
        %dma_wait3A_232 = tpu.memref_slice %arg10[%dma_wait3A_230, %dma_wait3A_231] : memref<5128x128xf32, #tpu.memory_space<vmem_shared>> -> memref<8x128xf32, #tpu.memory_space<vmem_shared>>
        %dma_wait3A_233 = arith.constant 5120 : i32
        %dma_wait3A_234 = arith.constant 0 : i32
        %dma_wait3A_235 = tpu.memref_slice %arg10[%dma_wait3A_233, %dma_wait3A_234] : memref<5128x128xf32, #tpu.memory_space<vmem_shared>> -> memref<8x128xf32, #tpu.memory_space<vmem_shared>>
        %dma_wait3A_236 = arith.constant 0 : i32
        %dma_wait3A_237 = arith.constant 0 : i32
        %dma_wait3A_238 = tpu.memref_slice %arg21[%dma_wait3A_236, %dma_wait3A_237] : memref<16x128xf32, #tpu.memory_space<vmem>> -> memref<8x128xf32, #tpu.memory_space<vmem>>
        tpu.wait_dma2 semaphore(%run_scoped3A : memref<!tpu.dma_semaphore, #tpu.memory_space<semaphore_mem>>) src(%dma_wait3A_238 : memref<8x128xf32, #tpu.memory_space<vmem>>) dst(%dma_wait3A_235 : memref<8x128xf32, #tpu.memory_space<vmem_shared>>)
        tpu.yield
      }) : () -> ()
    } else {
    }
    %dma_wait3A = tpu.memref_slice %arg3[%multiple_of3A] : memref<320000xi32, #tpu.memory_space<hbm>> -> memref<10000xi32, #tpu.memory_space<hbm>>
    %dma_wait3A_71 = tpu.memref_slice %arg3[%multiple_of3A] : memref<320000xi32, #tpu.memory_space<hbm>> -> memref<10000xi32, #tpu.memory_space<hbm>>
    tpu.wait_dma2 semaphore(%arg27 : memref<!tpu.dma_semaphore, #tpu.memory_space<semaphore_mem>>) src(%dma_wait3A_71 : memref<10000xi32, #tpu.memory_space<hbm>>) dst(%arg14 : memref<10000xi32, #tpu.memory_space<vmem>>)
    %dma_wait3A_72 = tpu.memref_slice %arg4[%multiple_of3A] : memref<320000xi32, #tpu.memory_space<hbm>> -> memref<10000xi32, #tpu.memory_space<hbm>>
    %dma_wait3A_73 = tpu.memref_slice %arg4[%multiple_of3A] : memref<320000xi32, #tpu.memory_space<hbm>> -> memref<10000xi32, #tpu.memory_space<hbm>>
    tpu.wait_dma2 semaphore(%arg27 : memref<!tpu.dma_semaphore, #tpu.memory_space<semaphore_mem>>) src(%dma_wait3A_73 : memref<10000xi32, #tpu.memory_space<hbm>>) dst(%arg15 : memref<10000xi32, #tpu.memory_space<vmem>>)
    %dma_wait3A_74 = arith.constant 0 : i32
    %dma_wait3A_75 = tpu.memref_slice %arg13[%dma_wait3A_74] : memref<5120xi32, #tpu.memory_space<vmem>> -> memref<4992xi32, #tpu.memory_space<vmem>>
    %dma_wait3A_76 = arith.constant 0 : i32
    %dma_wait3A_77 = tpu.memref_slice %arg5[%dma_wait3A_76] : memref<5000xi32, #tpu.memory_space<hbm>> -> memref<4992xi32, #tpu.memory_space<hbm>>
    %dma_wait3A_78 = arith.constant 0 : i32
    %dma_wait3A_79 = tpu.memref_slice %arg13[%dma_wait3A_78] : memref<5120xi32, #tpu.memory_space<vmem>> -> memref<4992xi32, #tpu.memory_space<vmem>>
    %dma_wait3A_80 = arith.constant 0 : i32
    %dma_wait3A_81 = tpu.memref_slice %arg5[%dma_wait3A_80] : memref<5000xi32, #tpu.memory_space<hbm>> -> memref<4992xi32, #tpu.memory_space<hbm>>
    tpu.wait_dma2 semaphore(%arg27 : memref<!tpu.dma_semaphore, #tpu.memory_space<semaphore_mem>>) src(%dma_wait3A_81 : memref<4992xi32, #tpu.memory_space<hbm>>) dst(%dma_wait3A_79 : memref<4992xi32, #tpu.memory_space<vmem>>)
    %dma_wait3A_82 = arith.constant 4984 : i32
    %dma_wait3A_83 = tpu.memref_slice %arg13[%dma_wait3A_82] : memref<5120xi32, #tpu.memory_space<vmem>> -> memref<16xi32, #tpu.memory_space<vmem>>
    %dma_wait3A_84 = arith.constant 4984 : i32
    %dma_wait3A_85 = tpu.memref_slice %arg5[%dma_wait3A_84] : memref<5000xi32, #tpu.memory_space<hbm>> -> memref<16xi32, #tpu.memory_space<hbm>>
    %dma_wait3A_86 = arith.constant 4984 : i32
    %dma_wait3A_87 = tpu.memref_slice %arg13[%dma_wait3A_86] : memref<5120xi32, #tpu.memory_space<vmem>> -> memref<16xi32, #tpu.memory_space<vmem>>
    %dma_wait3A_88 = arith.constant 4984 : i32
    %dma_wait3A_89 = tpu.memref_slice %arg5[%dma_wait3A_88] : memref<5000xi32, #tpu.memory_space<hbm>> -> memref<16xi32, #tpu.memory_space<hbm>>
    tpu.wait_dma2 semaphore(%arg27 : memref<!tpu.dma_semaphore, #tpu.memory_space<semaphore_mem>>) src(%dma_wait3A_89 : memref<16xi32, #tpu.memory_space<hbm>>) dst(%dma_wait3A_87 : memref<16xi32, #tpu.memory_space<vmem>>)
    %get3A = arith.constant 4992 : index
    %get3A_90 = tpu.vector_load %arg13[%get3A] {strides = array<i32>} : memref<5120xi32, #tpu.memory_space<vmem>>, vector<16xi32>,
    %lt3A_91 = arith.constant 8 : i32
    %lt3A_92 = vector.broadcast %lt3A_91 : i32 to vector<16xi32>
    %lt3A_93 = arith.cmpi slt, %iota3A, %lt3A_92 : vector<16xi32>
    %jit3A = arith.constant 0 : i32
    %broadcast_in_dim3A = vector.broadcast %jit3A : i32 to vector<16xi32>
    %select_n3A = arith.select %lt3A_93, %get3A_90, %broadcast_in_dim3A : vector<16xi1>, vector<16xi32>
    %swap3A = arith.constant 4992 : index
    %swap3A_94 = tpu.vector_load %arg13[%swap3A] {strides = array<i32>} : memref<5120xi32, #tpu.memory_space<vmem>>, vector<16xi32>,
    tpu.vector_store %arg13[%swap3A], %select_n3A {strides = array<i32>} : memref<5120xi32, #tpu.memory_space<vmem>>, vector<16xi32>,
    %scan3A_95 = arith.constant 0 : i32
    %scan3A_96 = arith.constant 0 : i32
    %scan3A_97 = arith.constant 7 : i32
    %scan3A_98 = arith.addi %scan3A_96, %scan3A_97 : i32
    %scan3A_99 = arith.constant 1 : i32
    %scan3A_100 = scf.for %scan3A_215 = %scan3A_96 to %scan3A_98 step %scan3A_99 iter_args(%scan3A_216 = %scan3A_95) -> (i32)  : i32 {
      %broadcast_in_dim3A_217 = arith.constant 0 : i32
      %broadcast_in_dim3A_218 = vector.broadcast %broadcast_in_dim3A_217 : i32 to vector<16xi32>
      %mul3A_219 = arith.constant 16 : i32
      %mul3A_220 = arith.muli %scan3A_215, %mul3A_219 : i32
      %add3A_221 = arith.constant 5008 : i32
      %add3A_222 = arith.addi %add3A_221, %mul3A_220 : i32
      %swap3A_223 = arith.index_cast %add3A_222 : i32 to index
      %swap3A_224 = tpu.vector_load %arg13[%swap3A_223] {strides = array<i32>} : memref<5120xi32, #tpu.memory_space<vmem>>, vector<16xi32>,
      tpu.vector_store %arg13[%swap3A_223], %broadcast_in_dim3A_218 {strides = array<i32>} : memref<5120xi32, #tpu.memory_space<vmem>>, vector<16xi32>,
      %scan3A_225 = arith.constant 0 : i32
      scf.yield %scan3A_225 : i32
    }
    %scan3A_101 = arith.constant 7 : i32
    %scan3A_102 = arith.constant 0 : i32
    %scan3A_103 = arith.constant 0 : i32
    %scan3A_104 = arith.constant 320 : i32
    %scan3A_105 = arith.addi %scan3A_103, %scan3A_104 : i32
    %scan3A_106 = arith.constant 1 : i32
    %scan3A_107 = scf.for %scan3A_215 = %scan3A_103 to %scan3A_105 step %scan3A_106 iter_args(%scan3A_216 = %scan3A_102) -> (i32)  : i32 {
      %mul3A_217 = arith.constant 16 : i32
      %mul3A_218 = arith.muli %scan3A_215, %mul3A_217 : i32
      %get3A_219 = arith.index_cast %mul3A_218 : i32 to index
      %get3A_220 = tpu.vector_load %arg13[%get3A_219] {strides = array<i32>} : memref<5120xi32, #tpu.memory_space<vmem>>, vector<16xi32>,
      %mul3A_221 = arith.constant 16 : i32
      %mul3A_222 = arith.muli %scan3A_215, %mul3A_221 : i32
      %add3A_223 = vector.broadcast %mul3A_222 : i32 to vector<16xi32>
      %add3A_224 = arith.addi %add3A_223, %iota3A : vector<16xi32>
      tpu.vector_store_idx %arg12[%get3A_220], %add3A_224 : memref<10000xi32, #tpu.memory_space<vmem>>[vector<16xi32>], vector<16xi32>,
      %scan3A_225 = arith.constant 0 : i32
      scf.yield %scan3A_225 : i32
    }
    %scan3A_108 = arith.constant 320 : i32
    %scan3A_109 = arith.constant 0 : i32
    %scan3A_110 = arith.constant 0 : i32
    %scan3A_111 = arith.constant 2 : i32
    %scan3A_112 = arith.addi %scan3A_110, %scan3A_111 : i32
    %scan3A_113 = arith.constant 1 : i32
    %scan3A_114 = scf.for %scan3A_215 = %scan3A_110 to %scan3A_112 step %scan3A_113 iter_args(%scan3A_216 = %scan3A_109) -> (i32)  : i32 {
      %mul3A_217 = arith.constant 320 : i32
      %mul3A_218 = arith.muli %arg1, %mul3A_217 : i32
      %mul3A_219 = arith.constant 160 : i32
      %mul3A_220 = arith.muli %arg0, %mul3A_219 : i32
      %add3A_221 = arith.addi %mul3A_218, %mul3A_220 : i32
      %mul3A_222 = arith.constant 80 : i32
      %mul3A_223 = arith.muli %scan3A_215, %mul3A_222 : i32
      %add3A_224 = arith.addi %add3A_221, %mul3A_223 : i32
      %multiple_of3A_225 = tpu.assume_multiple %add3A_224, 8 : i32
      %scan3A_226 = arith.constant 0 : i32
      %scan3A_227 = arith.constant 0 : i32
      %scan3A_228 = arith.constant 5 : i32
      %scan3A_229 = arith.addi %scan3A_227, %scan3A_228 : i32
      %scan3A_230 = arith.constant 1 : i32
      %scan3A_231 = scf.for %scan3A_250 = %scan3A_227 to %scan3A_229 step %scan3A_230 iter_args(%scan3A_251 = %scan3A_226) -> (i32)  : i32 {
        %mul3A_252 = arith.constant 16 : i32
        %mul3A_253 = arith.muli %scan3A_250, %mul3A_252 : i32
        %add3A_254 = arith.addi %multiple_of3A_225, %mul3A_253 : i32
        %get3A_255 = arith.index_cast %add3A_254 : i32 to index
        %get3A_256 = tpu.vector_load %arg13[%get3A_255] {strides = array<i32>} : memref<5120xi32, #tpu.memory_space<vmem>>, vector<16xi32>,
        %mul3A_257 = arith.constant 16 : i32
        %mul3A_258 = arith.muli %scan3A_250, %mul3A_257 : i32
        %swap3A_259 = arith.index_cast %mul3A_258 : i32 to index
        %swap3A_260 = tpu.vector_load %arg22[%swap3A_259] {strides = array<i32>} : memref<80xi32, #tpu.memory_space<vmem>>, vector<16xi32>,
        tpu.vector_store %arg22[%swap3A_259], %get3A_256 {strides = array<i32>} : memref<80xi32, #tpu.memory_space<vmem>>, vector<16xi32>,
        %scan3A_261 = arith.constant 0 : i32
        scf.yield %scan3A_261 : i32
      }
      %scan3A_232 = arith.constant 5 : i32
      %dma_start3A_233 = arith.constant 0 : i32
      %dma_start3A_234 = arith.constant 0 : i32
      %dma_start3A_235 = arith.constant 0 : i32
      %dma_start3A_236 = tpu.memref_slice %arg19[%dma_start3A_233, %dma_start3A_234, %dma_start3A_235] : memref<2x80x128xf32, #tpu.memory_space<vmem>> -> memref<1x80x128xf32, #tpu.memory_space<vmem>>
      %dma_start3A_237 = tpu.memref_squeeze %dma_start3A_236 : memref<1x80x128xf32, #tpu.memory_space<vmem>> -> memref<80x128xf32, #tpu.memory_space<vmem>>
      %dma_start3A_238 = arith.constant 0 : i32
      %dma_start3A_239 = arith.constant 0 : i32
      %dma_start3A_240 = tpu.memref_slice %arg2[%dma_start3A_238, %dma_start3A_239] : memref<10000x128xf32, #tpu.memory_space<hbm>> -> memref<10000x128xf32, #tpu.memory_space<hbm>>
      tpu.enqueue_indirect_dma source(%dma_start3A_240 : memref<10000x128xf32, #tpu.memory_space<hbm>>) target(%dma_start3A_237 : memref<80x128xf32, #tpu.memory_space<vmem>>) offsets(%arg22 : memref<80xi32, #tpu.memory_space<vmem>>) semaphore(%arg27 : memref<!tpu.dma_semaphore, #tpu.memory_space<semaphore_mem>>)
      %dma_wait3A_241 = arith.constant 0 : i32
      %dma_wait3A_242 = arith.constant 0 : i32
      %dma_wait3A_243 = arith.constant 0 : i32
      %dma_wait3A_244 = tpu.memref_slice %arg19[%dma_wait3A_241, %dma_wait3A_242, %dma_wait3A_243] : memref<2x80x128xf32, #tpu.memory_space<vmem>> -> memref<1x80x128xf32, #tpu.memory_space<vmem>>
      %dma_wait3A_245 = tpu.memref_squeeze %dma_wait3A_244 : memref<1x80x128xf32, #tpu.memory_space<vmem>> -> memref<80x128xf32, #tpu.memory_space<vmem>>
      %dma_wait3A_246 = arith.constant 0 : i32
      %dma_wait3A_247 = arith.constant 0 : i32
      %dma_wait3A_248 = tpu.memref_slice %arg2[%dma_wait3A_246, %dma_wait3A_247] : memref<10000x128xf32, #tpu.memory_space<hbm>> -> memref<10000x128xf32, #tpu.memory_space<hbm>>
      tpu.wait_indirect_dma semaphore(%arg27 : memref<!tpu.dma_semaphore, #tpu.memory_space<semaphore_mem>>) src(%dma_wait3A_248 : memref<10000x128xf32, #tpu.memory_space<hbm>>) dst(%dma_wait3A_245 : memref<80x128xf32, #tpu.memory_space<vmem>>)
      %run_scoped3A = arith.constant 0 : i32
      "tpu.region"() ({
        %run_scoped3A_250 = tpu.sem_alloc : memref<!tpu.dma_semaphore, #tpu.memory_space<semaphore_mem>>
        %dma_start3A_251 = arith.constant 0 : i32
        %dma_start3A_252 = arith.constant 0 : i32
        %dma_start3A_253 = tpu.memref_slice %arg19[%run_scoped3A, %dma_start3A_251, %dma_start3A_252] : memref<2x80x128xf32, #tpu.memory_space<vmem>> -> memref<1x80x128xf32, #tpu.memory_space<vmem>>
        %dma_start3A_254 = tpu.memref_squeeze %dma_start3A_253 : memref<1x80x128xf32, #tpu.memory_space<vmem>> -> memref<80x128xf32, #tpu.memory_space<vmem>>
        %dma_start3A_255 = arith.constant 0 : i32
        %dma_start3A_256 = tpu.memref_slice %arg10[%multiple_of3A_225, %dma_start3A_255] : memref<5128x128xf32, #tpu.memory_space<vmem_shared>> -> memref<80x128xf32, #tpu.memory_space<vmem_shared>>
        %dma_start3A_257 = arith.constant 0 : i32
        %dma_start3A_258 = tpu.memref_slice %arg10[%multiple_of3A_225, %dma_start3A_257] : memref<5128x128xf32, #tpu.memory_space<vmem_shared>> -> memref<80x128xf32, #tpu.memory_space<vmem_shared>>
        %dma_start3A_259 = arith.constant 0 : i32
        %dma_start3A_260 = arith.constant 0 : i32
        %dma_start3A_261 = tpu.memref_slice %arg19[%run_scoped3A, %dma_start3A_259, %dma_start3A_260] : memref<2x80x128xf32, #tpu.memory_space<vmem>> -> memref<1x80x128xf32, #tpu.memory_space<vmem>>
        %dma_start3A_262 = tpu.memref_squeeze %dma_start3A_261 : memref<1x80x128xf32, #tpu.memory_space<vmem>> -> memref<80x128xf32, #tpu.memory_space<vmem>>
        tpu.enqueue_dma source(%dma_start3A_262 : memref<80x128xf32, #tpu.memory_space<vmem>>) target(%dma_start3A_258 : memref<80x128xf32, #tpu.memory_space<vmem_shared>>) target_semaphore(%run_scoped3A_250 : memref<!tpu.dma_semaphore, #tpu.memory_space<semaphore_mem>>)
        %dma_wait3A_263 = arith.constant 0 : i32
        %dma_wait3A_264 = arith.constant 0 : i32
        %dma_wait3A_265 = tpu.memref_slice %arg19[%run_scoped3A, %dma_wait3A_263, %dma_wait3A_264] : memref<2x80x128xf32, #tpu.memory_space<vmem>> -> memref<1x80x128xf32, #tpu.memory_space<vmem>>
        %dma_wait3A_266 = tpu.memref_squeeze %dma_wait3A_265 : memref<1x80x128xf32, #tpu.memory_space<vmem>> -> memref<80x128xf32, #tpu.memory_space<vmem>>
        %dma_wait3A_267 = arith.constant 0 : i32
        %dma_wait3A_268 = tpu.memref_slice %arg10[%multiple_of3A_225, %dma_wait3A_267] : memref<5128x128xf32, #tpu.memory_space<vmem_shared>> -> memref<80x128xf32, #tpu.memory_space<vmem_shared>>
        %dma_wait3A_269 = arith.constant 0 : i32
        %dma_wait3A_270 = tpu.memref_slice %arg10[%multiple_of3A_225, %dma_wait3A_269] : memref<5128x128xf32, #tpu.memory_space<vmem_shared>> -> memref<80x128xf32, #tpu.memory_space<vmem_shared>>
        %dma_wait3A_271 = arith.constant 0 : i32
        %dma_wait3A_272 = arith.constant 0 : i32
        %dma_wait3A_273 = tpu.memref_slice %arg19[%run_scoped3A, %dma_wait3A_271, %dma_wait3A_272] : memref<2x80x128xf32, #tpu.memory_space<vmem>> -> memref<1x80x128xf32, #tpu.memory_space<vmem>>
        %dma_wait3A_274 = tpu.memref_squeeze %dma_wait3A_273 : memref<1x80x128xf32, #tpu.memory_space<vmem>> -> memref<80x128xf32, #tpu.memory_space<vmem>>
        tpu.wait_dma2 semaphore(%run_scoped3A_250 : memref<!tpu.dma_semaphore, #tpu.memory_space<semaphore_mem>>) src(%dma_wait3A_274 : memref<80x128xf32, #tpu.memory_space<vmem>>) dst(%dma_wait3A_270 : memref<80x128xf32, #tpu.memory_space<vmem_shared>>)
        tpu.yield
      }) : () -> ()
      %scan3A_249 = arith.constant 0 : i32
      scf.yield %scan3A_249 : i32
    }
    %scan3A_115 = arith.constant 2 : i32
    %scan3A_116 = arith.constant 0 : i32
    %scan3A_117 = arith.constant 0 : i32
    %scan3A_118 = arith.constant 312 : i32
    %scan3A_119 = arith.addi %scan3A_117, %scan3A_118 : i32
    %scan3A_120 = arith.constant 1 : i32
    %scan3A_121 = scf.for %scan3A_215 = %scan3A_117 to %scan3A_119 step %scan3A_120 iter_args(%scan3A_216 = %scan3A_116) -> (i32)  : i32 {
      %mul3A_217 = arith.constant 2 : i32
      %mul3A_218 = arith.muli %mul3A_217, %scan3A_215 : i32
      %add3A_219 = arith.constant 1 : i32
      %add3A_220 = arith.addi %mul3A_218, %add3A_219 : i32
      %mul3A_221 = arith.constant 2 : i32
      %mul3A_222 = arith.muli %mul3A_221, %scan3A_215 : i32
      %mul3A_223 = arith.constant 16 : i32
      %mul3A_224 = arith.muli %mul3A_222, %mul3A_223 : i32
      %get3A_225 = arith.index_cast %mul3A_224 : i32 to index
      %get3A_226 = tpu.vector_load %arg14[%get3A_225] {strides = array<i32>} : memref<10000xi32, #tpu.memory_space<vmem>>, vector<16xi32>,
      %mul3A_227 = arith.constant 16 : i32
      %mul3A_228 = arith.muli %mul3A_222, %mul3A_227 : i32
      %get3A_229 = arith.index_cast %mul3A_228 : i32 to index
      %get3A_230 = tpu.vector_load %arg15[%get3A_229] {strides = array<i32>} : memref<10000xi32, #tpu.memory_space<vmem>>, vector<16xi32>,
      %gather3A_231 = tpu.vector_load_idx %arg12[%get3A_230] : memref<10000xi32, #tpu.memory_space<vmem>>[vector<16xi32>], vector<16xi32>,
      %lt3A_232 = arith.constant 5120 : i32
      %lt3A_233 = vector.broadcast %lt3A_232 : i32 to vector<16xi32>
      %lt3A_234 = arith.cmpi slt, %gather3A_231, %lt3A_233 : vector<16xi32>
      %swap3A_235 = arith.index_cast %scan3A_216 : i32 to index
      %swap3A_236 = tpu.vector_load %arg16[%swap3A_235] masked %lt3A_234 {strides = array<i32>} : memref<10080xi32, #tpu.memory_space<vmem>>, vector<16xi32>, vector<16xi1>
      tpu.vector_store %arg16[%swap3A_235], %get3A_226 masked %lt3A_234 {strides = array<i32>} : memref<10080xi32, #tpu.memory_space<vmem>>, vector<16xi32>, vector<16xi1>
      %swap3A_237 = arith.index_cast %scan3A_216 : i32 to index
      %swap3A_238 = tpu.vector_load %arg17[%swap3A_237] masked %lt3A_234 {strides = array<i32>} : memref<10080xi32, #tpu.memory_space<vmem>>, vector<16xi32>, vector<16xi1>
      tpu.vector_store %arg17[%swap3A_237], %gather3A_231 masked %lt3A_234 {strides = array<i32>} : memref<10080xi32, #tpu.memory_space<vmem>>, vector<16xi32>, vector<16xi1>
      %all_reduce_population_count3A_239 = tpu.all_reduce %lt3A_234 {dim = 0 : i64, kind = #tpu.reduction_kind<sum>} : vector<16xi1> -> vector<16xi32>
      %slice3A_240 = vector.extract_strided_slice %all_reduce_population_count3A_239 {offsets = [0], sizes = [1], strides = [1]} : vector<16xi32> to vector<1xi32>
      %squeeze3A_241 = vector.extract %slice3A_240[0] : i32 from vector<1xi32>
      %add3A_242 = arith.addi %scan3A_216, %squeeze3A_241 : i32
      %mul3A_243 = arith.constant 16 : i32
      %mul3A_244 = arith.muli %add3A_220, %mul3A_243 : i32
      %get3A_245 = arith.index_cast %mul3A_244 : i32 to index
      %get3A_246 = tpu.vector_load %arg14[%get3A_245] {strides = array<i32>} : memref<10000xi32, #tpu.memory_space<vmem>>, vector<16xi32>,
      %mul3A_247 = arith.constant 16 : i32
      %mul3A_248 = arith.muli %add3A_220, %mul3A_247 : i32
      %get3A_249 = arith.index_cast %mul3A_248 : i32 to index
      %get3A_250 = tpu.vector_load %arg15[%get3A_249] {strides = array<i32>} : memref<10000xi32, #tpu.memory_space<vmem>>, vector<16xi32>,
      %gather3A_251 = tpu.vector_load_idx %arg12[%get3A_250] : memref<10000xi32, #tpu.memory_space<vmem>>[vector<16xi32>], vector<16xi32>,
      %lt3A_252 = arith.constant 5120 : i32
      %lt3A_253 = vector.broadcast %lt3A_252 : i32 to vector<16xi32>
      %lt3A_254 = arith.cmpi slt, %gather3A_251, %lt3A_253 : vector<16xi32>
      %swap3A_255 = arith.index_cast %add3A_242 : i32 to index
      %swap3A_256 = tpu.vector_load %arg16[%swap3A_255] masked %lt3A_254 {strides = array<i32>} : memref<10080xi32, #tpu.memory_space<vmem>>, vector<16xi32>, vector<16xi1>
      tpu.vector_store %arg16[%swap3A_255], %get3A_246 masked %lt3A_254 {strides = array<i32>} : memref<10080xi32, #tpu.memory_space<vmem>>, vector<16xi32>, vector<16xi1>
      %swap3A_257 = arith.index_cast %add3A_242 : i32 to index
      %swap3A_258 = tpu.vector_load %arg17[%swap3A_257] masked %lt3A_254 {strides = array<i32>} : memref<10080xi32, #tpu.memory_space<vmem>>, vector<16xi32>, vector<16xi1>
      tpu.vector_store %arg17[%swap3A_257], %gather3A_251 masked %lt3A_254 {strides = array<i32>} : memref<10080xi32, #tpu.memory_space<vmem>>, vector<16xi32>, vector<16xi1>
      %all_reduce_population_count3A_259 = tpu.all_reduce %lt3A_254 {dim = 0 : i64, kind = #tpu.reduction_kind<sum>} : vector<16xi1> -> vector<16xi32>
      %slice3A_260 = vector.extract_strided_slice %all_reduce_population_count3A_259 {offsets = [0], sizes = [1], strides = [1]} : vector<16xi32> to vector<1xi32>
      %squeeze3A_261 = vector.extract %slice3A_260[0] : i32 from vector<1xi32>
      %add3A_262 = arith.addi %add3A_242, %squeeze3A_261 : i32
      scf.yield %add3A_262 : i32
    }
    %scan3A_122 = arith.constant 312 : i32
    %get3A_123 = arith.constant 9984 : index
    %get3A_124 = tpu.vector_load %arg14[%get3A_123] {strides = array<i32>} : memref<10000xi32, #tpu.memory_space<vmem>>, vector<16xi32>,
    %get3A_125 = arith.constant 9984 : index
    %get3A_126 = tpu.vector_load %arg15[%get3A_125] {strides = array<i32>} : memref<10000xi32, #tpu.memory_space<vmem>>, vector<16xi32>,
    %gather3A = tpu.vector_load_idx %arg12[%get3A_126] : memref<10000xi32, #tpu.memory_space<vmem>>[vector<16xi32>], vector<16xi32>,
    %lt3A_127 = arith.constant 5120 : i32
    %lt3A_128 = vector.broadcast %lt3A_127 : i32 to vector<16xi32>
    %lt3A_129 = arith.cmpi slt, %gather3A, %lt3A_128 : vector<16xi32>
    %swap3A_130 = arith.index_cast %scan3A_121 : i32 to index
    %swap3A_131 = tpu.vector_load %arg16[%swap3A_130] masked %lt3A_129 {strides = array<i32>} : memref<10080xi32, #tpu.memory_space<vmem>>, vector<16xi32>, vector<16xi1>
    tpu.vector_store %arg16[%swap3A_130], %get3A_124 masked %lt3A_129 {strides = array<i32>} : memref<10080xi32, #tpu.memory_space<vmem>>, vector<16xi32>, vector<16xi1>
    %swap3A_132 = arith.index_cast %scan3A_121 : i32 to index
    %swap3A_133 = tpu.vector_load %arg17[%swap3A_132] masked %lt3A_129 {strides = array<i32>} : memref<10080xi32, #tpu.memory_space<vmem>>, vector<16xi32>, vector<16xi1>
    tpu.vector_store %arg17[%swap3A_132], %gather3A masked %lt3A_129 {strides = array<i32>} : memref<10080xi32, #tpu.memory_space<vmem>>, vector<16xi32>, vector<16xi1>
    %all_reduce_population_count3A = tpu.all_reduce %lt3A_129 {dim = 0 : i64, kind = #tpu.reduction_kind<sum>} : vector<16xi1> -> vector<16xi32>
    %slice3A = vector.extract_strided_slice %all_reduce_population_count3A {offsets = [0], sizes = [1], strides = [1]} : vector<16xi32> to vector<1xi32>
    %squeeze3A = vector.extract %slice3A[0] : i32 from vector<1xi32>
    %add3A_134 = arith.addi %scan3A_121, %squeeze3A : i32
    %add3A_135 = arith.constant 79 : i32
    %add3A_136 = arith.addi %add3A_134, %add3A_135 : i32
    %jit3A_137 = arith.constant 80 : i32
    %div3A = arith.divsi %add3A_136, %jit3A_137 : i32
    %sign3A = arith.constant 0 : i32
    %sign3A_138 = arith.cmpi sgt, %add3A_136, %sign3A : i32
    %sign3A_139 = arith.extui %sign3A_138 : i1 to i32
    %sign3A_140 = arith.constant 0 : i32
    %sign3A_141 = arith.cmpi slt, %add3A_136, %sign3A_140 : i32
    %sign3A_142 = arith.extui %sign3A_141 : i1 to i32
    %sign3A_143 = arith.subi %sign3A_139, %sign3A_142 : i32
    %sign3A_144 = arith.constant 0 : i32
    %sign3A_145 = arith.cmpi sgt, %jit3A_137, %sign3A_144 : i32
    %sign3A_146 = arith.extui %sign3A_145 : i1 to i32
    %sign3A_147 = arith.constant 0 : i32
    %sign3A_148 = arith.cmpi slt, %jit3A_137, %sign3A_147 : i32
    %sign3A_149 = arith.extui %sign3A_148 : i1 to i32
    %sign3A_150 = arith.subi %sign3A_146, %sign3A_149 : i32
    %ne3A = arith.cmpi ne, %sign3A_143, %sign3A_150 : i32
    %rem3A = arith.remsi %add3A_136, %jit3A_137 : i32
    %ne3A_151 = arith.constant 0 : i32
    %ne3A_152 = arith.cmpi ne, %rem3A, %ne3A_151 : i32
    %and3A_153 = arith.andi %ne3A, %ne3A_152 : i1
    %sub3A_154 = arith.constant 1 : i32
    %sub3A_155 = arith.subi %div3A, %sub3A_154 : i32
    %select_n3A_156 = arith.select %and3A_153, %sub3A_155, %div3A : i32
    %and3A_157 = arith.constant 7 : i32
    %and3A_158 = vector.broadcast %and3A_157 : i32 to vector<16xi32>
    %and3A_159 = arith.andi %iota3A, %and3A_158 : vector<16xi32>
    %while3A = scf.while (%while3A_215 = %add3A_134) : (i32) -> i32 {
      %mul3A_216 = arith.constant 80 : i32
      %mul3A_217 = arith.muli %select_n3A_156, %mul3A_216 : i32
      %lt3A_218 = arith.cmpi slt, %while3A_215, %mul3A_217 : i32
      scf.condition(%lt3A_218) %while3A_215 : i32
    } do {
    ^bb0(%while3A_215: i32):
      %swap3A_216 = arith.index_cast %while3A_215 : i32 to index
      %swap3A_217 = tpu.vector_load %arg16[%swap3A_216] {strides = array<i32>} : memref<10080xi32, #tpu.memory_space<vmem>>, vector<16xi32>,
      tpu.vector_store %arg16[%swap3A_216], %and3A_159 {strides = array<i32>} : memref<10080xi32, #tpu.memory_space<vmem>>, vector<16xi32>,
      %swap3A_218 = arith.index_cast %while3A_215 : i32 to index
      %swap3A_219 = tpu.vector_load %arg17[%swap3A_218] {strides = array<i32>} : memref<10080xi32, #tpu.memory_space<vmem>>, vector<16xi32>,
      tpu.vector_store %arg17[%swap3A_218], %add3A_5 {strides = array<i32>} : memref<10080xi32, #tpu.memory_space<vmem>>, vector<16xi32>,
      %add3A_220 = arith.constant 16 : i32
      %add3A_221 = arith.addi %while3A_215, %add3A_220 : i32
      scf.yield %add3A_221 : i32
    }
    %barrier3A = arith.constant 0 : index
    tpu.barrier barrier_id(%barrier3A)
    %gt3A = arith.constant 0 : i32
    %gt3A_160 = arith.cmpi sgt, %select_n3A_156, %gt3A : i32
    %convert_element_type3A_161 = arith.extui %gt3A_160 : i1 to i32
    %cond3A_162 = arith.constant 0 : i32
    %cond3A_163 = arith.cmpi ne, %convert_element_type3A_161, %cond3A_162 : i32
    scf.if %cond3A_163 {
      %scan3A_215 = arith.constant 0 : i32
      %scan3A_216 = arith.constant 0 : i32
      %scan3A_217 = arith.constant 0 : i32
      %scan3A_218 = arith.constant 5 : i32
      %scan3A_219 = arith.addi %scan3A_217, %scan3A_218 : i32
      %scan3A_220 = arith.constant 1 : i32
      %scan3A_221 = scf.for %scan3A_233 = %scan3A_217 to %scan3A_219 step %scan3A_220 iter_args(%scan3A_234 = %scan3A_216) -> (i32)  : i32 {
        %mul3A_235 = arith.constant 16 : i32
        %mul3A_236 = arith.muli %scan3A_233, %mul3A_235 : i32
        %add3A_237 = arith.addi %scan3A_215, %mul3A_236 : i32
        %get3A_238 = arith.index_cast %add3A_237 : i32 to index
        %get3A_239 = tpu.vector_load %arg17[%get3A_238] {strides = array<i32>} : memref<10080xi32, #tpu.memory_space<vmem>>, vector<16xi32>,
        %mul3A_240 = arith.constant 16 : i32
        %mul3A_241 = arith.muli %scan3A_233, %mul3A_240 : i32
        %swap3A_242 = arith.constant 0 : i32
        %swap3A_243 = arith.index_cast %swap3A_242 : i32 to index
        %swap3A_244 = arith.index_cast %mul3A_241 : i32 to index
        %swap3A_245 = tpu.vector_load %arg18[%swap3A_243, %swap3A_244] {strides = array<i32>} : memref<2x80xi32, #tpu.memory_space<vmem>>, vector<16xi32>,
        tpu.vector_store %arg18[%swap3A_243, %swap3A_244], %get3A_239 {strides = array<i32>} : memref<2x80xi32, #tpu.memory_space<vmem>>, vector<16xi32>,
        %scan3A_246 = arith.constant 0 : i32
        scf.yield %scan3A_246 : i32
      }
      %scan3A_222 = arith.constant 5 : i32
      %dma_start3A_223 = arith.constant 0 : i32
      %dma_start3A_224 = arith.constant 0 : i32
      %dma_start3A_225 = arith.constant 0 : i32
      %dma_start3A_226 = tpu.memref_slice %arg19[%dma_start3A_223, %dma_start3A_224, %dma_start3A_225] : memref<2x80x128xf32, #tpu.memory_space<vmem>> -> memref<1x80x128xf32, #tpu.memory_space<vmem>>
      %dma_start3A_227 = tpu.memref_squeeze %dma_start3A_226 : memref<1x80x128xf32, #tpu.memory_space<vmem>> -> memref<80x128xf32, #tpu.memory_space<vmem>>
      %dma_start3A_228 = arith.constant 0 : i32
      %dma_start3A_229 = tpu.memref_slice %arg16[%dma_start3A_228] : memref<10080xi32, #tpu.memory_space<vmem>> -> memref<80xi32, #tpu.memory_space<vmem>>
      %dma_start3A_230 = arith.constant 0 : i32
      %dma_start3A_231 = arith.constant 0 : i32
      %dma_start3A_232 = tpu.memref_slice %arg2[%dma_start3A_230, %dma_start3A_231] : memref<10000x128xf32, #tpu.memory_space<hbm>> -> memref<10000x128xf32, #tpu.memory_space<hbm>>
      tpu.enqueue_indirect_dma source(%dma_start3A_232 : memref<10000x128xf32, #tpu.memory_space<hbm>>) target(%dma_start3A_227 : memref<80x128xf32, #tpu.memory_space<vmem>>) offsets(%dma_start3A_229 : memref<80xi32, #tpu.memory_space<vmem>>) semaphore(%arg27 : memref<!tpu.dma_semaphore, #tpu.memory_space<semaphore_mem>>)
    } else {
    }
    %while3A_164 = arith.constant 0 : i32
    %while3A_165 = arith.constant 0 : i32
    %while3A_166 = arith.subi %select_n3A_156, %while3A_164 : i32
    %while3A_167 = arith.addi %while3A_164, %while3A_166 : i32
    %while3A_168 = arith.constant 1 : i32
    %while3A_169 = arith.divsi %while3A_166, %while3A_168 : i32
    %while3A_170 = arith.muli %while3A_169, %while3A_168 : i32
    %while3A_171 = arith.addi %while3A_164, %while3A_170 : i32
    %while3A_172 = arith.constant 1 : i32
    %while3A_173 = scf.for %while3A_215 = %while3A_164 to %while3A_171 step %while3A_172 iter_args(%while3A_216 = %while3A_165) -> (i32)  : i32 {
      %jit3A_217 = arith.constant 2 : i32
      %eq3A_218 = arith.constant 0 : i32
      %eq3A_219 = arith.cmpi eq, %jit3A_217, %eq3A_218 : i32
      %jit3A_220 = arith.constant 1 : i32
      %select_n3A_221 = arith.select %eq3A_219, %jit3A_220, %jit3A_217 : i32
      %rem3A_222 = arith.remsi %while3A_215, %select_n3A_221 : i32
      %ne3A_223 = arith.constant 0 : i32
      %ne3A_224 = arith.cmpi ne, %rem3A_222, %ne3A_223 : i32
      %lt3A_225 = arith.constant 0 : i32
      %lt3A_226 = arith.cmpi slt, %rem3A_222, %lt3A_225 : i32
      %lt3A_227 = arith.constant 0 : i32
      %lt3A_228 = arith.cmpi slt, %select_n3A_221, %lt3A_227 : i32
      %ne3A_229 = arith.xori %lt3A_226, %lt3A_228 : i1
      %and3A_230 = arith.andi %ne3A_229, %ne3A_224 : i1
      %add3A_231 = arith.addi %rem3A_222, %select_n3A_221 : i32
      %select_n3A_232 = arith.select %and3A_230, %add3A_231, %rem3A_222 : i32
      %sub3A_233 = arith.constant 1 : i32
      %sub3A_234 = arith.subi %sub3A_233, %select_n3A_232 : i32
      %gt3A_235 = arith.constant 0 : i32
      %gt3A_236 = arith.cmpi sgt, %while3A_215, %gt3A_235 : i32
      %convert_element_type3A_237 = arith.extui %gt3A_236 : i1 to i32
      %cond3A_238 = arith.constant 0 : i32
      %cond3A_239 = arith.cmpi ne, %convert_element_type3A_237, %cond3A_238 : i32
      scf.if %cond3A_239 {
        %dma_wait3A_279 = arith.constant 0 : i32
        %dma_wait3A_280 = arith.constant 0 : i32
        %dma_wait3A_281 = tpu.memref_slice %arg19[%sub3A_234, %dma_wait3A_279, %dma_wait3A_280] : memref<2x80x128xf32, #tpu.memory_space<vmem>> -> memref<1x80x128xf32, #tpu.memory_space<vmem>>
        %dma_wait3A_282 = tpu.memref_squeeze %dma_wait3A_281 : memref<1x80x128xf32, #tpu.memory_space<vmem>> -> memref<80x128xf32, #tpu.memory_space<vmem>>
        %dma_wait3A_283 = arith.constant 0 : i32
        %dma_wait3A_284 = tpu.memref_slice %arg18[%sub3A_234, %dma_wait3A_283] : memref<2x80xi32, #tpu.memory_space<vmem>> -> memref<1x80xi32, #tpu.memory_space<vmem>>
        %dma_wait3A_285 = tpu.memref_squeeze %dma_wait3A_284 : memref<1x80xi32, #tpu.memory_space<vmem>> -> memref<80xi32, #tpu.memory_space<vmem>>
        %dma_wait3A_286 = arith.constant 0 : i32
        %dma_wait3A_287 = arith.constant 0 : i32
        %dma_wait3A_288 = tpu.memref_slice %arg10[%dma_wait3A_286, %dma_wait3A_287] : memref<5128x128xf32, #tpu.memory_space<vmem_shared>> -> memref<5128x128xf32, #tpu.memory_space<vmem_shared>>
        tpu.wait_indirect_dma semaphore(%arg28 : memref<!tpu.dma_semaphore, #tpu.memory_space<semaphore_mem>>) src(%dma_wait3A_282 : memref<80x128xf32, #tpu.memory_space<vmem>>) dst(%dma_wait3A_288 : memref<5128x128xf32, #tpu.memory_space<vmem_shared>>)
        %dma_wait3A_289 = arith.constant 0 : i32
        %dma_wait3A_290 = tpu.memref_slice %arg8[%dma_wait3A_289] : memref<5120xf32, #tpu.memory_space<hbm>> -> memref<80xf32, #tpu.memory_space<hbm>>
        %dma_wait3A_291 = arith.constant 0 : i32
        %dma_wait3A_292 = tpu.memref_slice %arg8[%dma_wait3A_291] : memref<5120xf32, #tpu.memory_space<hbm>> -> memref<80xf32, #tpu.memory_space<hbm>>
        tpu.wait_dma2 semaphore(%arg29 : memref<!tpu.dma_semaphore, #tpu.memory_space<semaphore_mem>>) src(%dma_wait3A_292 : memref<80xf32, #tpu.memory_space<hbm>>) dst(%arg24 : memref<80xf32, #tpu.memory_space<vmem>>)
      } else {
      }
      %sub3A_240 = arith.constant 1 : i32
      %sub3A_241 = arith.subi %select_n3A_156, %sub3A_240 : i32
      %lt3A_242 = arith.cmpi slt, %while3A_215, %sub3A_241 : i32
      %convert_element_type3A_243 = arith.extui %lt3A_242 : i1 to i32
      %cond3A_244 = arith.constant 0 : i32
      %cond3A_245 = arith.cmpi ne, %convert_element_type3A_243, %cond3A_244 : i32
      scf.if %cond3A_245 {
        %add3A_279 = arith.constant 1 : i32
        %add3A_280 = arith.addi %while3A_215, %add3A_279 : i32
        %mul3A_281 = arith.constant 80 : i32
        %mul3A_282 = arith.muli %add3A_280, %mul3A_281 : i32
        %scan3A_283 = arith.constant 0 : i32
        %scan3A_284 = arith.constant 0 : i32
        %scan3A_285 = arith.constant 5 : i32
        %scan3A_286 = arith.addi %scan3A_284, %scan3A_285 : i32
        %scan3A_287 = arith.constant 1 : i32
        %scan3A_288 = scf.for %scan3A_290 = %scan3A_284 to %scan3A_286 step %scan3A_287 iter_args(%scan3A_291 = %scan3A_283) -> (i32)  : i32 {
          %mul3A_292 = arith.constant 16 : i32
          %mul3A_293 = arith.muli %scan3A_290, %mul3A_292 : i32
          %add3A_294 = arith.addi %mul3A_282, %mul3A_293 : i32
          %get3A_295 = arith.index_cast %add3A_294 : i32 to index
          %get3A_296 = tpu.vector_load %arg17[%get3A_295] {strides = array<i32>} : memref<10080xi32, #tpu.memory_space<vmem>>, vector<16xi32>,
          %mul3A_297 = arith.constant 16 : i32
          %mul3A_298 = arith.muli %scan3A_290, %mul3A_297 : i32
          %swap3A_299 = arith.index_cast %sub3A_234 : i32 to index
          %swap3A_300 = arith.index_cast %mul3A_298 : i32 to index
          %swap3A_301 = tpu.vector_load %arg18[%swap3A_299, %swap3A_300] {strides = array<i32>} : memref<2x80xi32, #tpu.memory_space<vmem>>, vector<16xi32>,
          tpu.vector_store %arg18[%swap3A_299, %swap3A_300], %get3A_296 {strides = array<i32>} : memref<2x80xi32, #tpu.memory_space<vmem>>, vector<16xi32>,
          %scan3A_302 = arith.constant 0 : i32
          scf.yield %scan3A_302 : i32
        }
        %scan3A_289 = arith.constant 5 : i32
      } else {
      }
      %dma_wait3A_246 = arith.constant 0 : i32
      %dma_wait3A_247 = arith.constant 0 : i32
      %dma_wait3A_248 = tpu.memref_slice %arg19[%select_n3A_232, %dma_wait3A_246, %dma_wait3A_247] : memref<2x80x128xf32, #tpu.memory_space<vmem>> -> memref<1x80x128xf32, #tpu.memory_space<vmem>>
      %dma_wait3A_249 = tpu.memref_squeeze %dma_wait3A_248 : memref<1x80x128xf32, #tpu.memory_space<vmem>> -> memref<80x128xf32, #tpu.memory_space<vmem>>
      %dma_wait3A_250 = arith.constant 0 : i32
      %dma_wait3A_251 = tpu.memref_slice %arg16[%dma_wait3A_250] : memref<10080xi32, #tpu.memory_space<vmem>> -> memref<80xi32, #tpu.memory_space<vmem>>
      %dma_wait3A_252 = arith.constant 0 : i32
      %dma_wait3A_253 = arith.constant 0 : i32
      %dma_wait3A_254 = tpu.memref_slice %arg2[%dma_wait3A_252, %dma_wait3A_253] : memref<10000x128xf32, #tpu.memory_space<hbm>> -> memref<10000x128xf32, #tpu.memory_space<hbm>>
      tpu.wait_indirect_dma semaphore(%arg27 : memref<!tpu.dma_semaphore, #tpu.memory_space<semaphore_mem>>) src(%dma_wait3A_254 : memref<10000x128xf32, #tpu.memory_space<hbm>>) dst(%dma_wait3A_249 : memref<80x128xf32, #tpu.memory_space<vmem>>)
      %sub3A_255 = arith.constant 1 : i32
      %sub3A_256 = arith.subi %select_n3A_156, %sub3A_255 : i32
      %lt3A_257 = arith.cmpi slt, %while3A_215, %sub3A_256 : i32
      %convert_element_type3A_258 = arith.extui %lt3A_257 : i1 to i32
      %cond3A_259 = arith.constant 0 : i32
      %cond3A_260 = arith.cmpi ne, %convert_element_type3A_258, %cond3A_259 : i32
      scf.if %cond3A_260 {
        %add3A_279 = arith.constant 1 : i32
        %add3A_280 = arith.addi %while3A_215, %add3A_279 : i32
        %mul3A_281 = arith.constant 80 : i32
        %mul3A_282 = arith.muli %add3A_280, %mul3A_281 : i32
        %multiple_of3A_283 = tpu.assume_multiple %mul3A_282, 8 : i32
        %dma_start3A_284 = arith.constant 0 : i32
        %dma_start3A_285 = arith.constant 0 : i32
        %dma_start3A_286 = tpu.memref_slice %arg19[%sub3A_234, %dma_start3A_284, %dma_start3A_285] : memref<2x80x128xf32, #tpu.memory_space<vmem>> -> memref<1x80x128xf32, #tpu.memory_space<vmem>>
        %dma_start3A_287 = tpu.memref_squeeze %dma_start3A_286 : memref<1x80x128xf32, #tpu.memory_space<vmem>> -> memref<80x128xf32, #tpu.memory_space<vmem>>
        %dma_start3A_288 = tpu.memref_slice %arg16[%multiple_of3A_283] : memref<10080xi32, #tpu.memory_space<vmem>> -> memref<80xi32, #tpu.memory_space<vmem>>
        %dma_start3A_289 = arith.constant 0 : i32
        %dma_start3A_290 = arith.constant 0 : i32
        %dma_start3A_291 = tpu.memref_slice %arg2[%dma_start3A_289, %dma_start3A_290] : memref<10000x128xf32, #tpu.memory_space<hbm>> -> memref<10000x128xf32, #tpu.memory_space<hbm>>
        tpu.enqueue_indirect_dma source(%dma_start3A_291 : memref<10000x128xf32, #tpu.memory_space<hbm>>) target(%dma_start3A_287 : memref<80x128xf32, #tpu.memory_space<vmem>>) offsets(%dma_start3A_288 : memref<80xi32, #tpu.memory_space<vmem>>) semaphore(%arg27 : memref<!tpu.dma_semaphore, #tpu.memory_space<semaphore_mem>>)
      } else {
      }
      %dma_start3A_261 = arith.constant 0 : i32
      %dma_start3A_262 = arith.constant 0 : i32
      %dma_start3A_263 = tpu.memref_slice %arg19[%select_n3A_232, %dma_start3A_261, %dma_start3A_262] : memref<2x80x128xf32, #tpu.memory_space<vmem>> -> memref<1x80x128xf32, #tpu.memory_space<vmem>>
      %dma_start3A_264 = tpu.memref_squeeze %dma_start3A_263 : memref<1x80x128xf32, #tpu.memory_space<vmem>> -> memref<80x128xf32, #tpu.memory_space<vmem>>
      %dma_start3A_265 = arith.constant 0 : i32
      %dma_start3A_266 = tpu.memref_slice %arg18[%select_n3A_232, %dma_start3A_265] : memref<2x80xi32, #tpu.memory_space<vmem>> -> memref<1x80xi32, #tpu.memory_space<vmem>>
      %dma_start3A_267 = tpu.memref_squeeze %dma_start3A_266 : memref<1x80xi32, #tpu.memory_space<vmem>> -> memref<80xi32, #tpu.memory_space<vmem>>
      %dma_start3A_268 = arith.constant 0 : i32
      %dma_start3A_269 = arith.constant 0 : i32
      %dma_start3A_270 = tpu.memref_slice %arg10[%dma_start3A_268, %dma_start3A_269] : memref<5128x128xf32, #tpu.memory_space<vmem_shared>> -> memref<5128x128xf32, #tpu.memory_space<vmem_shared>>
      tpu.enqueue_indirect_dma source(%dma_start3A_264 : memref<80x128xf32, #tpu.memory_space<vmem>>) target(%dma_start3A_270 : memref<5128x128xf32, #tpu.memory_space<vmem_shared>>) offsets(%dma_start3A_267 : memref<80xi32, #tpu.memory_space<vmem>>) semaphore(%arg28 : memref<!tpu.dma_semaphore, #tpu.memory_space<semaphore_mem>>) {add = true}
      %dma_start3A_271 = arith.constant 0 : i32
      %dma_start3A_272 = tpu.memref_slice %arg20[%dma_start3A_271] : memref<1008xf32, #tpu.memory_space<vmem>> -> memref<80xf32, #tpu.memory_space<vmem>>
      %dma_start3A_273 = arith.constant 0 : i32
      %dma_start3A_274 = tpu.memref_slice %arg18[%select_n3A_232, %dma_start3A_273] : memref<2x80xi32, #tpu.memory_space<vmem>> -> memref<1x80xi32, #tpu.memory_space<vmem>>
      %dma_start3A_275 = tpu.memref_squeeze %dma_start3A_274 : memref<1x80xi32, #tpu.memory_space<vmem>> -> memref<80xi32, #tpu.memory_space<vmem>>
      %dma_start3A_276 = arith.constant 0 : i32
      %dma_start3A_277 = tpu.memref_slice %arg11[%dma_start3A_276] : memref<5128xf32, #tpu.memory_space<vmem_shared>> -> memref<5128xf32, #tpu.memory_space<vmem_shared>>
      tpu.enqueue_indirect_dma source(%dma_start3A_272 : memref<80xf32, #tpu.memory_space<vmem>>) target(%dma_start3A_277 : memref<5128xf32, #tpu.memory_space<vmem_shared>>) offsets(%dma_start3A_275 : memref<80xi32, #tpu.memory_space<vmem>>) semaphore(%arg29 : memref<!tpu.dma_semaphore, #tpu.memory_space<semaphore_mem>>) {add = true}
      %while3A_278 = arith.constant 0 : i32
      scf.yield %while3A_278 : i32
    }
    %while3A_174 = arith.constant 1 : i32
    %while3A_175 = scf.for %while3A_215 = %while3A_171 to %while3A_167 step %while3A_174 iter_args(%while3A_216 = %while3A_173) -> (i32)  : i32 {
      %jit3A_217 = arith.constant 2 : i32
      %eq3A_218 = arith.constant 0 : i32
      %eq3A_219 = arith.cmpi eq, %jit3A_217, %eq3A_218 : i32
      %jit3A_220 = arith.constant 1 : i32
      %select_n3A_221 = arith.select %eq3A_219, %jit3A_220, %jit3A_217 : i32
      %rem3A_222 = arith.remsi %while3A_215, %select_n3A_221 : i32
      %ne3A_223 = arith.constant 0 : i32
      %ne3A_224 = arith.cmpi ne, %rem3A_222, %ne3A_223 : i32
      %lt3A_225 = arith.constant 0 : i32
      %lt3A_226 = arith.cmpi slt, %rem3A_222, %lt3A_225 : i32
      %lt3A_227 = arith.constant 0 : i32
      %lt3A_228 = arith.cmpi slt, %select_n3A_221, %lt3A_227 : i32
      %ne3A_229 = arith.xori %lt3A_226, %lt3A_228 : i1
      %and3A_230 = arith.andi %ne3A_229, %ne3A_224 : i1
      %add3A_231 = arith.addi %rem3A_222, %select_n3A_221 : i32
      %select_n3A_232 = arith.select %and3A_230, %add3A_231, %rem3A_222 : i32
      %sub3A_233 = arith.constant 1 : i32
      %sub3A_234 = arith.subi %sub3A_233, %select_n3A_232 : i32
      %gt3A_235 = arith.constant 0 : i32
      %gt3A_236 = arith.cmpi sgt, %while3A_215, %gt3A_235 : i32
      %convert_element_type3A_237 = arith.extui %gt3A_236 : i1 to i32
      %cond3A_238 = arith.constant 0 : i32
      %cond3A_239 = arith.cmpi ne, %convert_element_type3A_237, %cond3A_238 : i32
      scf.if %cond3A_239 {
        %dma_wait3A_279 = arith.constant 0 : i32
        %dma_wait3A_280 = arith.constant 0 : i32
        %dma_wait3A_281 = tpu.memref_slice %arg19[%sub3A_234, %dma_wait3A_279, %dma_wait3A_280] : memref<2x80x128xf32, #tpu.memory_space<vmem>> -> memref<1x80x128xf32, #tpu.memory_space<vmem>>
        %dma_wait3A_282 = tpu.memref_squeeze %dma_wait3A_281 : memref<1x80x128xf32, #tpu.memory_space<vmem>> -> memref<80x128xf32, #tpu.memory_space<vmem>>
        %dma_wait3A_283 = arith.constant 0 : i32
        %dma_wait3A_284 = tpu.memref_slice %arg18[%sub3A_234, %dma_wait3A_283] : memref<2x80xi32, #tpu.memory_space<vmem>> -> memref<1x80xi32, #tpu.memory_space<vmem>>
        %dma_wait3A_285 = tpu.memref_squeeze %dma_wait3A_284 : memref<1x80xi32, #tpu.memory_space<vmem>> -> memref<80xi32, #tpu.memory_space<vmem>>
        %dma_wait3A_286 = arith.constant 0 : i32
        %dma_wait3A_287 = arith.constant 0 : i32
        %dma_wait3A_288 = tpu.memref_slice %arg10[%dma_wait3A_286, %dma_wait3A_287] : memref<5128x128xf32, #tpu.memory_space<vmem_shared>> -> memref<5128x128xf32, #tpu.memory_space<vmem_shared>>
        tpu.wait_indirect_dma semaphore(%arg28 : memref<!tpu.dma_semaphore, #tpu.memory_space<semaphore_mem>>) src(%dma_wait3A_282 : memref<80x128xf32, #tpu.memory_space<vmem>>) dst(%dma_wait3A_288 : memref<5128x128xf32, #tpu.memory_space<vmem_shared>>)
        %dma_wait3A_289 = arith.constant 0 : i32
        %dma_wait3A_290 = tpu.memref_slice %arg8[%dma_wait3A_289] : memref<5120xf32, #tpu.memory_space<hbm>> -> memref<80xf32, #tpu.memory_space<hbm>>
        %dma_wait3A_291 = arith.constant 0 : i32
        %dma_wait3A_292 = tpu.memref_slice %arg8[%dma_wait3A_291] : memref<5120xf32, #tpu.memory_space<hbm>> -> memref<80xf32, #tpu.memory_space<hbm>>
        tpu.wait_dma2 semaphore(%arg29 : memref<!tpu.dma_semaphore, #tpu.memory_space<semaphore_mem>>) src(%dma_wait3A_292 : memref<80xf32, #tpu.memory_space<hbm>>) dst(%arg24 : memref<80xf32, #tpu.memory_space<vmem>>)
      } else {
      }
      %sub3A_240 = arith.constant 1 : i32
      %sub3A_241 = arith.subi %select_n3A_156, %sub3A_240 : i32
      %lt3A_242 = arith.cmpi slt, %while3A_215, %sub3A_241 : i32
      %convert_element_type3A_243 = arith.extui %lt3A_242 : i1 to i32
      %cond3A_244 = arith.constant 0 : i32
      %cond3A_245 = arith.cmpi ne, %convert_element_type3A_243, %cond3A_244 : i32
      scf.if %cond3A_245 {
        %add3A_279 = arith.constant 1 : i32
        %add3A_280 = arith.addi %while3A_215, %add3A_279 : i32
        %mul3A_281 = arith.constant 80 : i32
        %mul3A_282 = arith.muli %add3A_280, %mul3A_281 : i32
        %scan3A_283 = arith.constant 0 : i32
        %scan3A_284 = arith.constant 0 : i32
        %scan3A_285 = arith.constant 5 : i32
        %scan3A_286 = arith.addi %scan3A_284, %scan3A_285 : i32
        %scan3A_287 = arith.constant 1 : i32
        %scan3A_288 = scf.for %scan3A_290 = %scan3A_284 to %scan3A_286 step %scan3A_287 iter_args(%scan3A_291 = %scan3A_283) -> (i32)  : i32 {
          %mul3A_292 = arith.constant 16 : i32
          %mul3A_293 = arith.muli %scan3A_290, %mul3A_292 : i32
          %add3A_294 = arith.addi %mul3A_282, %mul3A_293 : i32
          %get3A_295 = arith.index_cast %add3A_294 : i32 to index
          %get3A_296 = tpu.vector_load %arg17[%get3A_295] {strides = array<i32>} : memref<10080xi32, #tpu.memory_space<vmem>>, vector<16xi32>,
          %mul3A_297 = arith.constant 16 : i32
          %mul3A_298 = arith.muli %scan3A_290, %mul3A_297 : i32
          %swap3A_299 = arith.index_cast %sub3A_234 : i32 to index
          %swap3A_300 = arith.index_cast %mul3A_298 : i32 to index
          %swap3A_301 = tpu.vector_load %arg18[%swap3A_299, %swap3A_300] {strides = array<i32>} : memref<2x80xi32, #tpu.memory_space<vmem>>, vector<16xi32>,
          tpu.vector_store %arg18[%swap3A_299, %swap3A_300], %get3A_296 {strides = array<i32>} : memref<2x80xi32, #tpu.memory_space<vmem>>, vector<16xi32>,
          %scan3A_302 = arith.constant 0 : i32
          scf.yield %scan3A_302 : i32
        }
        %scan3A_289 = arith.constant 5 : i32
      } else {
      }
      %dma_wait3A_246 = arith.constant 0 : i32
      %dma_wait3A_247 = arith.constant 0 : i32
      %dma_wait3A_248 = tpu.memref_slice %arg19[%select_n3A_232, %dma_wait3A_246, %dma_wait3A_247] : memref<2x80x128xf32, #tpu.memory_space<vmem>> -> memref<1x80x128xf32, #tpu.memory_space<vmem>>
      %dma_wait3A_249 = tpu.memref_squeeze %dma_wait3A_248 : memref<1x80x128xf32, #tpu.memory_space<vmem>> -> memref<80x128xf32, #tpu.memory_space<vmem>>
      %dma_wait3A_250 = arith.constant 0 : i32
      %dma_wait3A_251 = tpu.memref_slice %arg16[%dma_wait3A_250] : memref<10080xi32, #tpu.memory_space<vmem>> -> memref<80xi32, #tpu.memory_space<vmem>>
      %dma_wait3A_252 = arith.constant 0 : i32
      %dma_wait3A_253 = arith.constant 0 : i32
      %dma_wait3A_254 = tpu.memref_slice %arg2[%dma_wait3A_252, %dma_wait3A_253] : memref<10000x128xf32, #tpu.memory_space<hbm>> -> memref<10000x128xf32, #tpu.memory_space<hbm>>
      tpu.wait_indirect_dma semaphore(%arg27 : memref<!tpu.dma_semaphore, #tpu.memory_space<semaphore_mem>>) src(%dma_wait3A_254 : memref<10000x128xf32, #tpu.memory_space<hbm>>) dst(%dma_wait3A_249 : memref<80x128xf32, #tpu.memory_space<vmem>>)
      %sub3A_255 = arith.constant 1 : i32
      %sub3A_256 = arith.subi %select_n3A_156, %sub3A_255 : i32
      %lt3A_257 = arith.cmpi slt, %while3A_215, %sub3A_256 : i32
      %convert_element_type3A_258 = arith.extui %lt3A_257 : i1 to i32
      %cond3A_259 = arith.constant 0 : i32
      %cond3A_260 = arith.cmpi ne, %convert_element_type3A_258, %cond3A_259 : i32
      scf.if %cond3A_260 {
        %add3A_279 = arith.constant 1 : i32
        %add3A_280 = arith.addi %while3A_215, %add3A_279 : i32
        %mul3A_281 = arith.constant 80 : i32
        %mul3A_282 = arith.muli %add3A_280, %mul3A_281 : i32
        %multiple_of3A_283 = tpu.assume_multiple %mul3A_282, 8 : i32
        %dma_start3A_284 = arith.constant 0 : i32
        %dma_start3A_285 = arith.constant 0 : i32
        %dma_start3A_286 = tpu.memref_slice %arg19[%sub3A_234, %dma_start3A_284, %dma_start3A_285] : memref<2x80x128xf32, #tpu.memory_space<vmem>> -> memref<1x80x128xf32, #tpu.memory_space<vmem>>
        %dma_start3A_287 = tpu.memref_squeeze %dma_start3A_286 : memref<1x80x128xf32, #tpu.memory_space<vmem>> -> memref<80x128xf32, #tpu.memory_space<vmem>>
        %dma_start3A_288 = tpu.memref_slice %arg16[%multiple_of3A_283] : memref<10080xi32, #tpu.memory_space<vmem>> -> memref<80xi32, #tpu.memory_space<vmem>>
        %dma_start3A_289 = arith.constant 0 : i32
        %dma_start3A_290 = arith.constant 0 : i32
        %dma_start3A_291 = tpu.memref_slice %arg2[%dma_start3A_289, %dma_start3A_290] : memref<10000x128xf32, #tpu.memory_space<hbm>> -> memref<10000x128xf32, #tpu.memory_space<hbm>>
        tpu.enqueue_indirect_dma source(%dma_start3A_291 : memref<10000x128xf32, #tpu.memory_space<hbm>>) target(%dma_start3A_287 : memref<80x128xf32, #tpu.memory_space<vmem>>) offsets(%dma_start3A_288 : memref<80xi32, #tpu.memory_space<vmem>>) semaphore(%arg27 : memref<!tpu.dma_semaphore, #tpu.memory_space<semaphore_mem>>)
      } else {
      }
      %dma_start3A_261 = arith.constant 0 : i32
      %dma_start3A_262 = arith.constant 0 : i32
      %dma_start3A_263 = tpu.memref_slice %arg19[%select_n3A_232, %dma_start3A_261, %dma_start3A_262] : memref<2x80x128xf32, #tpu.memory_space<vmem>> -> memref<1x80x128xf32, #tpu.memory_space<vmem>>
      %dma_start3A_264 = tpu.memref_squeeze %dma_start3A_263 : memref<1x80x128xf32, #tpu.memory_space<vmem>> -> memref<80x128xf32, #tpu.memory_space<vmem>>
      %dma_start3A_265 = arith.constant 0 : i32
      %dma_start3A_266 = tpu.memref_slice %arg18[%select_n3A_232, %dma_start3A_265] : memref<2x80xi32, #tpu.memory_space<vmem>> -> memref<1x80xi32, #tpu.memory_space<vmem>>
      %dma_start3A_267 = tpu.memref_squeeze %dma_start3A_266 : memref<1x80xi32, #tpu.memory_space<vmem>> -> memref<80xi32, #tpu.memory_space<vmem>>
      %dma_start3A_268 = arith.constant 0 : i32
      %dma_start3A_269 = arith.constant 0 : i32
      %dma_start3A_270 = tpu.memref_slice %arg10[%dma_start3A_268, %dma_start3A_269] : memref<5128x128xf32, #tpu.memory_space<vmem_shared>> -> memref<5128x128xf32, #tpu.memory_space<vmem_shared>>
      tpu.enqueue_indirect_dma source(%dma_start3A_264 : memref<80x128xf32, #tpu.memory_space<vmem>>) target(%dma_start3A_270 : memref<5128x128xf32, #tpu.memory_space<vmem_shared>>) offsets(%dma_start3A_267 : memref<80xi32, #tpu.memory_space<vmem>>) semaphore(%arg28 : memref<!tpu.dma_semaphore, #tpu.memory_space<semaphore_mem>>) {add = true}
      %dma_start3A_271 = arith.constant 0 : i32
      %dma_start3A_272 = tpu.memref_slice %arg20[%dma_start3A_271] : memref<1008xf32, #tpu.memory_space<vmem>> -> memref<80xf32, #tpu.memory_space<vmem>>
      %dma_start3A_273 = arith.constant 0 : i32
      %dma_start3A_274 = tpu.memref_slice %arg18[%select_n3A_232, %dma_start3A_273] : memref<2x80xi32, #tpu.memory_space<vmem>> -> memref<1x80xi32, #tpu.memory_space<vmem>>
      %dma_start3A_275 = tpu.memref_squeeze %dma_start3A_274 : memref<1x80xi32, #tpu.memory_space<vmem>> -> memref<80xi32, #tpu.memory_space<vmem>>
      %dma_start3A_276 = arith.constant 0 : i32
      %dma_start3A_277 = tpu.memref_slice %arg11[%dma_start3A_276] : memref<5128xf32, #tpu.memory_space<vmem_shared>> -> memref<5128xf32, #tpu.memory_space<vmem_shared>>
      tpu.enqueue_indirect_dma source(%dma_start3A_272 : memref<80xf32, #tpu.memory_space<vmem>>) target(%dma_start3A_277 : memref<5128xf32, #tpu.memory_space<vmem_shared>>) offsets(%dma_start3A_275 : memref<80xi32, #tpu.memory_space<vmem>>) semaphore(%arg29 : memref<!tpu.dma_semaphore, #tpu.memory_space<semaphore_mem>>) {add = true}
      %while3A_278 = arith.constant 0 : i32
      scf.yield %while3A_278 : i32
    }
    %gt3A_176 = arith.constant 0 : i32
    %gt3A_177 = arith.cmpi sgt, %select_n3A_156, %gt3A_176 : i32
    %convert_element_type3A_178 = arith.extui %gt3A_177 : i1 to i32
    %cond3A_179 = arith.constant 0 : i32
    %cond3A_180 = arith.cmpi ne, %convert_element_type3A_178, %cond3A_179 : i32
    scf.if %cond3A_180 {
      %sub3A_215 = arith.constant 1 : i32
      %sub3A_216 = arith.subi %select_n3A_156, %sub3A_215 : i32
      %jit3A_217 = arith.constant 2 : i32
      %eq3A_218 = arith.constant 0 : i32
      %eq3A_219 = arith.cmpi eq, %jit3A_217, %eq3A_218 : i32
      %jit3A_220 = arith.constant 1 : i32
      %select_n3A_221 = arith.select %eq3A_219, %jit3A_220, %jit3A_217 : i32
      %rem3A_222 = arith.remsi %sub3A_216, %select_n3A_221 : i32
      %ne3A_223 = arith.constant 0 : i32
      %ne3A_224 = arith.cmpi ne, %rem3A_222, %ne3A_223 : i32
      %lt3A_225 = arith.constant 0 : i32
      %lt3A_226 = arith.cmpi slt, %rem3A_222, %lt3A_225 : i32
      %lt3A_227 = arith.constant 0 : i32
      %lt3A_228 = arith.cmpi slt, %select_n3A_221, %lt3A_227 : i32
      %ne3A_229 = arith.xori %lt3A_226, %lt3A_228 : i1
      %and3A_230 = arith.andi %ne3A_229, %ne3A_224 : i1
      %add3A_231 = arith.addi %rem3A_222, %select_n3A_221 : i32
      %select_n3A_232 = arith.select %and3A_230, %add3A_231, %rem3A_222 : i32
      %dma_wait3A_233 = arith.constant 0 : i32
      %dma_wait3A_234 = arith.constant 0 : i32
      %dma_wait3A_235 = tpu.memref_slice %arg19[%select_n3A_232, %dma_wait3A_233, %dma_wait3A_234] : memref<2x80x128xf32, #tpu.memory_space<vmem>> -> memref<1x80x128xf32, #tpu.memory_space<vmem>>
      %dma_wait3A_236 = tpu.memref_squeeze %dma_wait3A_235 : memref<1x80x128xf32, #tpu.memory_space<vmem>> -> memref<80x128xf32, #tpu.memory_space<vmem>>
      %dma_wait3A_237 = arith.constant 0 : i32
      %dma_wait3A_238 = tpu.memref_slice %arg18[%select_n3A_232, %dma_wait3A_237] : memref<2x80xi32, #tpu.memory_space<vmem>> -> memref<1x80xi32, #tpu.memory_space<vmem>>
      %dma_wait3A_239 = tpu.memref_squeeze %dma_wait3A_238 : memref<1x80xi32, #tpu.memory_space<vmem>> -> memref<80xi32, #tpu.memory_space<vmem>>
      %dma_wait3A_240 = arith.constant 0 : i32
      %dma_wait3A_241 = arith.constant 0 : i32
      %dma_wait3A_242 = tpu.memref_slice %arg10[%dma_wait3A_240, %dma_wait3A_241] : memref<5128x128xf32, #tpu.memory_space<vmem_shared>> -> memref<5128x128xf32, #tpu.memory_space<vmem_shared>>
      tpu.wait_indirect_dma semaphore(%arg28 : memref<!tpu.dma_semaphore, #tpu.memory_space<semaphore_mem>>) src(%dma_wait3A_236 : memref<80x128xf32, #tpu.memory_space<vmem>>) dst(%dma_wait3A_242 : memref<5128x128xf32, #tpu.memory_space<vmem_shared>>)
      %dma_wait3A_243 = arith.constant 0 : i32
      %dma_wait3A_244 = tpu.memref_slice %arg8[%dma_wait3A_243] : memref<5120xf32, #tpu.memory_space<hbm>> -> memref<80xf32, #tpu.memory_space<hbm>>
      %dma_wait3A_245 = arith.constant 0 : i32
      %dma_wait3A_246 = tpu.memref_slice %arg8[%dma_wait3A_245] : memref<5120xf32, #tpu.memory_space<hbm>> -> memref<80xf32, #tpu.memory_space<hbm>>
      tpu.wait_dma2 semaphore(%arg29 : memref<!tpu.dma_semaphore, #tpu.memory_space<semaphore_mem>>) src(%dma_wait3A_246 : memref<80xf32, #tpu.memory_space<hbm>>) dst(%arg24 : memref<80xf32, #tpu.memory_space<vmem>>)
    } else {
    }
    %barrier3A_181 = arith.constant 0 : index
    tpu.barrier barrier_id(%barrier3A_181)
    %scan3A_182 = arith.constant 0 : i32
    %scan3A_183 = arith.constant 0 : i32
    %scan3A_184 = arith.constant 4 : i32
    %scan3A_185 = arith.addi %scan3A_183, %scan3A_184 : i32
    %scan3A_186 = arith.constant 1 : i32
    %scan3A_187 = scf.for %scan3A_215 = %scan3A_183 to %scan3A_185 step %scan3A_186 iter_args(%scan3A_216 = %scan3A_182) -> (i32)  : i32 {
      %jit3A_217 = arith.constant 2 : i32
      %eq3A_218 = arith.constant 0 : i32
      %eq3A_219 = arith.cmpi eq, %jit3A_217, %eq3A_218 : i32
      %jit3A_220 = arith.constant 1 : i32
      %select_n3A_221 = arith.select %eq3A_219, %jit3A_220, %jit3A_217 : i32
      %rem3A_222 = arith.remsi %scan3A_215, %select_n3A_221 : i32
      %ne3A_223 = arith.constant 0 : i32
      %ne3A_224 = arith.cmpi ne, %rem3A_222, %ne3A_223 : i32
      %lt3A_225 = arith.constant 0 : i32
      %lt3A_226 = arith.cmpi slt, %rem3A_222, %lt3A_225 : i32
      %lt3A_227 = arith.constant 0 : i32
      %lt3A_228 = arith.cmpi slt, %select_n3A_221, %lt3A_227 : i32
      %ne3A_229 = arith.xori %lt3A_226, %lt3A_228 : i1
      %and3A_230 = arith.andi %ne3A_229, %ne3A_224 : i1
      %add3A_231 = arith.addi %rem3A_222, %select_n3A_221 : i32
      %select_n3A_232 = arith.select %and3A_230, %add3A_231, %rem3A_222 : i32
      %mul3A_233 = arith.constant 320 : i32
      %mul3A_234 = arith.muli %arg1, %mul3A_233 : i32
      %mul3A_235 = arith.constant 80 : i32
      %mul3A_236 = arith.muli %scan3A_215, %mul3A_235 : i32
      %add3A_237 = arith.addi %mul3A_234, %mul3A_236 : i32
      %multiple_of3A_238 = tpu.assume_multiple %add3A_237, 8 : i32
      %mul3A_239 = arith.constant 320 : i32
      %mul3A_240 = arith.muli %arg1, %mul3A_239 : i32
      %sub3A_241 = arith.constant 1 : i32
      %sub3A_242 = arith.subi %scan3A_215, %sub3A_241 : i32
      %mul3A_243 = arith.constant 80 : i32
      %mul3A_244 = arith.muli %sub3A_242, %mul3A_243 : i32
      %add3A_245 = arith.addi %mul3A_240, %mul3A_244 : i32
      %multiple_of3A_246 = tpu.assume_multiple %add3A_245, 8 : i32
      %gt3A_247 = arith.constant 0 : i32
      %gt3A_248 = arith.cmpi sgt, %scan3A_215, %gt3A_247 : i32
      %convert_element_type3A_249 = arith.extui %gt3A_248 : i1 to i32
      %cond3A_250 = arith.constant 0 : i32
      %cond3A_251 = arith.cmpi ne, %convert_element_type3A_249, %cond3A_250 : i32
      scf.if %cond3A_251 {
        %sub3A_294 = arith.constant 1 : i32
        %sub3A_295 = arith.subi %sub3A_294, %select_n3A_232 : i32
        %dma_wait3A_296 = arith.constant 0 : i32
        %dma_wait3A_297 = arith.constant 0 : i32
        %dma_wait3A_298 = tpu.memref_slice %arg19[%sub3A_295, %dma_wait3A_296, %dma_wait3A_297] : memref<2x80x128xf32, #tpu.memory_space<vmem>> -> memref<1x80x128xf32, #tpu.memory_space<vmem>>
        %dma_wait3A_299 = tpu.memref_squeeze %dma_wait3A_298 : memref<1x80x128xf32, #tpu.memory_space<vmem>> -> memref<80x128xf32, #tpu.memory_space<vmem>>
        %dma_wait3A_300 = arith.constant 0 : i32
        %dma_wait3A_301 = tpu.memref_slice %arg6[%multiple_of3A_238, %dma_wait3A_300] : memref<5120x128xf32, #tpu.memory_space<hbm>> -> memref<80x128xf32, #tpu.memory_space<hbm>>
        %dma_wait3A_302 = arith.constant 0 : i32
        %dma_wait3A_303 = tpu.memref_slice %arg6[%multiple_of3A_238, %dma_wait3A_302] : memref<5120x128xf32, #tpu.memory_space<hbm>> -> memref<80x128xf32, #tpu.memory_space<hbm>>
        %dma_wait3A_304 = arith.constant 0 : i32
        %dma_wait3A_305 = arith.constant 0 : i32
        %dma_wait3A_306 = tpu.memref_slice %arg19[%sub3A_295, %dma_wait3A_304, %dma_wait3A_305] : memref<2x80x128xf32, #tpu.memory_space<vmem>> -> memref<1x80x128xf32, #tpu.memory_space<vmem>>
        %dma_wait3A_307 = tpu.memref_squeeze %dma_wait3A_306 : memref<1x80x128xf32, #tpu.memory_space<vmem>> -> memref<80x128xf32, #tpu.memory_space<vmem>>
        tpu.wait_dma2 semaphore(%arg26 : memref<!tpu.dma_semaphore, #tpu.memory_space<semaphore_mem>>) src(%dma_wait3A_307 : memref<80x128xf32, #tpu.memory_space<vmem>>) dst(%dma_wait3A_303 : memref<80x128xf32, #tpu.memory_space<hbm>>)
        %sub3A_308 = arith.constant 1 : i32
        %sub3A_309 = arith.subi %sub3A_308, %select_n3A_232 : i32
        %dma_wait3A_310 = arith.constant 0 : i32
        %dma_wait3A_311 = tpu.memref_slice %arg25[%sub3A_309, %dma_wait3A_310] : memref<2x80xf32, #tpu.memory_space<vmem>> -> memref<1x80xf32, #tpu.memory_space<vmem>>
        %dma_wait3A_312 = tpu.memref_squeeze %dma_wait3A_311 : memref<1x80xf32, #tpu.memory_space<vmem>> -> memref<80xf32, #tpu.memory_space<vmem>>
        %dma_wait3A_313 = tpu.memref_slice %arg8[%multiple_of3A_238] : memref<5120xf32, #tpu.memory_space<hbm>> -> memref<80xf32, #tpu.memory_space<hbm>>
        %dma_wait3A_314 = tpu.memref_slice %arg8[%multiple_of3A_238] : memref<5120xf32, #tpu.memory_space<hbm>> -> memref<80xf32, #tpu.memory_space<hbm>>
        %dma_wait3A_315 = arith.constant 0 : i32
        %dma_wait3A_316 = tpu.memref_slice %arg25[%sub3A_309, %dma_wait3A_315] : memref<2x80xf32, #tpu.memory_space<vmem>> -> memref<1x80xf32, #tpu.memory_space<vmem>>
        %dma_wait3A_317 = tpu.memref_squeeze %dma_wait3A_316 : memref<1x80xf32, #tpu.memory_space<vmem>> -> memref<80xf32, #tpu.memory_space<vmem>>
        tpu.wait_dma2 semaphore(%arg26 : memref<!tpu.dma_semaphore, #tpu.memory_space<semaphore_mem>>) src(%dma_wait3A_317 : memref<80xf32, #tpu.memory_space<vmem>>) dst(%dma_wait3A_314 : memref<80xf32, #tpu.memory_space<hbm>>)
      } else {
      }
      %scan3A_252 = arith.constant 0 : i32
      %scan3A_253 = arith.constant 0 : i32
      %scan3A_254 = arith.constant 5 : i32
      %scan3A_255 = arith.addi %scan3A_253, %scan3A_254 : i32
      %scan3A_256 = arith.constant 1 : i32
      %scan3A_257 = scf.for %scan3A_294 = %scan3A_253 to %scan3A_255 step %scan3A_256 iter_args(%scan3A_295 = %scan3A_252) -> (i32)  : i32 {
        %mul3A_296 = arith.constant 16 : i32
        %mul3A_297 = arith.muli %scan3A_294, %mul3A_296 : i32
        %add3A_298 = arith.addi %multiple_of3A_238, %mul3A_297 : i32
        %get3A_299 = arith.index_cast %add3A_298 : i32 to index
        %get3A_300 = tpu.vector_load %arg13[%get3A_299] {strides = array<i32>} : memref<5120xi32, #tpu.memory_space<vmem>>, vector<16xi32>,
        %gather3A_301 = tpu.vector_load_idx %arg12[%get3A_300] : memref<10000xi32, #tpu.memory_space<vmem>>[vector<16xi32>], vector<16xi32>,
        %mul3A_302 = arith.constant 16 : i32
        %mul3A_303 = arith.muli %scan3A_294, %mul3A_302 : i32
        %swap3A_304 = arith.index_cast %mul3A_303 : i32 to index
        %swap3A_305 = tpu.vector_load %arg23[%swap3A_304] {strides = array<i32>} : memref<80xi32, #tpu.memory_space<vmem>>, vector<16xi32>,
        tpu.vector_store %arg23[%swap3A_304], %gather3A_301 {strides = array<i32>} : memref<80xi32, #tpu.memory_space<vmem>>, vector<16xi32>,
        %scan3A_306 = arith.constant 0 : i32
        scf.yield %scan3A_306 : i32
      }
      %scan3A_258 = arith.constant 5 : i32
      %dma_start3A_259 = arith.constant 0 : i32
      %dma_start3A_260 = arith.constant 0 : i32
      %dma_start3A_261 = tpu.memref_slice %arg19[%select_n3A_232, %dma_start3A_259, %dma_start3A_260] : memref<2x80x128xf32, #tpu.memory_space<vmem>> -> memref<1x80x128xf32, #tpu.memory_space<vmem>>
      %dma_start3A_262 = tpu.memref_squeeze %dma_start3A_261 : memref<1x80x128xf32, #tpu.memory_space<vmem>> -> memref<80x128xf32, #tpu.memory_space<vmem>>
      %dma_start3A_263 = arith.constant 0 : i32
      %dma_start3A_264 = arith.constant 0 : i32
      %dma_start3A_265 = tpu.memref_slice %arg10[%dma_start3A_263, %dma_start3A_264] : memref<5128x128xf32, #tpu.memory_space<vmem_shared>> -> memref<5128x128xf32, #tpu.memory_space<vmem_shared>>
      tpu.enqueue_indirect_dma source(%dma_start3A_265 : memref<5128x128xf32, #tpu.memory_space<vmem_shared>>) target(%dma_start3A_262 : memref<80x128xf32, #tpu.memory_space<vmem>>) offsets(%arg23 : memref<80xi32, #tpu.memory_space<vmem>>) semaphore(%arg27 : memref<!tpu.dma_semaphore, #tpu.memory_space<semaphore_mem>>)
      %dma_start3A_266 = arith.constant 0 : i32
      %dma_start3A_267 = tpu.memref_slice %arg25[%select_n3A_232, %dma_start3A_266] : memref<2x80xf32, #tpu.memory_space<vmem>> -> memref<1x80xf32, #tpu.memory_space<vmem>>
      %dma_start3A_268 = tpu.memref_squeeze %dma_start3A_267 : memref<1x80xf32, #tpu.memory_space<vmem>> -> memref<80xf32, #tpu.memory_space<vmem>>
      %dma_start3A_269 = arith.constant 0 : i32
      %dma_start3A_270 = tpu.memref_slice %arg11[%dma_start3A_269] : memref<5128xf32, #tpu.memory_space<vmem_shared>> -> memref<5128xf32, #tpu.memory_space<vmem_shared>>
      tpu.enqueue_indirect_dma source(%dma_start3A_270 : memref<5128xf32, #tpu.memory_space<vmem_shared>>) target(%dma_start3A_268 : memref<80xf32, #tpu.memory_space<vmem>>) offsets(%arg23 : memref<80xi32, #tpu.memory_space<vmem>>) semaphore(%arg29 : memref<!tpu.dma_semaphore, #tpu.memory_space<semaphore_mem>>)
      %dma_wait3A_271 = arith.constant 0 : i32
      %dma_wait3A_272 = arith.constant 0 : i32
      %dma_wait3A_273 = tpu.memref_slice %arg19[%select_n3A_232, %dma_wait3A_271, %dma_wait3A_272] : memref<2x80x128xf32, #tpu.memory_space<vmem>> -> memref<1x80x128xf32, #tpu.memory_space<vmem>>
      %dma_wait3A_274 = tpu.memref_squeeze %dma_wait3A_273 : memref<1x80x128xf32, #tpu.memory_space<vmem>> -> memref<80x128xf32, #tpu.memory_space<vmem>>
      %dma_wait3A_275 = arith.constant 0 : i32
      %dma_wait3A_276 = arith.constant 0 : i32
      %dma_wait3A_277 = tpu.memref_slice %arg10[%dma_wait3A_275, %dma_wait3A_276] : memref<5128x128xf32, #tpu.memory_space<vmem_shared>> -> memref<5128x128xf32, #tpu.memory_space<vmem_shared>>
      tpu.wait_indirect_dma semaphore(%arg27 : memref<!tpu.dma_semaphore, #tpu.memory_space<semaphore_mem>>) src(%dma_wait3A_277 : memref<5128x128xf32, #tpu.memory_space<vmem_shared>>) dst(%dma_wait3A_274 : memref<80x128xf32, #tpu.memory_space<vmem>>)
      %dma_wait3A_278 = arith.constant 0 : i32
      %dma_wait3A_279 = tpu.memref_slice %arg25[%select_n3A_232, %dma_wait3A_278] : memref<2x80xf32, #tpu.memory_space<vmem>> -> memref<1x80xf32, #tpu.memory_space<vmem>>
      %dma_wait3A_280 = tpu.memref_squeeze %dma_wait3A_279 : memref<1x80xf32, #tpu.memory_space<vmem>> -> memref<80xf32, #tpu.memory_space<vmem>>
      %dma_wait3A_281 = arith.constant 0 : i32
      %dma_wait3A_282 = tpu.memref_slice %arg11[%dma_wait3A_281] : memref<5128xf32, #tpu.memory_space<vmem_shared>> -> memref<5128xf32, #tpu.memory_space<vmem_shared>>
      tpu.wait_indirect_dma semaphore(%arg29 : memref<!tpu.dma_semaphore, #tpu.memory_space<semaphore_mem>>) src(%dma_wait3A_282 : memref<5128xf32, #tpu.memory_space<vmem_shared>>) dst(%dma_wait3A_280 : memref<80xf32, #tpu.memory_space<vmem>>)
      %eq3A_283 = arith.constant 0 : i32
      %eq3A_284 = arith.cmpi eq, %arg0, %eq3A_283 : i32
      %convert_element_type3A_285 = arith.extui %eq3A_284 : i1 to i32
      %cond3A_286 = arith.constant 0 : i32
      %cond3A_287 = arith.cmpi ne, %convert_element_type3A_285, %cond3A_286 : i32
      scf.if %cond3A_287 {
        %dma_start3A_294 = arith.constant 0 : i32
        %dma_start3A_295 = arith.constant 0 : i32
        %dma_start3A_296 = tpu.memref_slice %arg19[%select_n3A_232, %dma_start3A_294, %dma_start3A_295] : memref<2x80x128xf32, #tpu.memory_space<vmem>> -> memref<1x80x128xf32, #tpu.memory_space<vmem>>
        %dma_start3A_297 = tpu.memref_squeeze %dma_start3A_296 : memref<1x80x128xf32, #tpu.memory_space<vmem>> -> memref<80x128xf32, #tpu.memory_space<vmem>>
        %dma_start3A_298 = arith.constant 0 : i32
        %dma_start3A_299 = tpu.memref_slice %arg6[%multiple_of3A_238, %dma_start3A_298] : memref<5120x128xf32, #tpu.memory_space<hbm>> -> memref<80x128xf32, #tpu.memory_space<hbm>>
        %dma_start3A_300 = arith.constant 0 : i32
        %dma_start3A_301 = tpu.memref_slice %arg6[%multiple_of3A_238, %dma_start3A_300] : memref<5120x128xf32, #tpu.memory_space<hbm>> -> memref<80x128xf32, #tpu.memory_space<hbm>>
        %dma_start3A_302 = arith.constant 0 : i32
        %dma_start3A_303 = arith.constant 0 : i32
        %dma_start3A_304 = tpu.memref_slice %arg19[%select_n3A_232, %dma_start3A_302, %dma_start3A_303] : memref<2x80x128xf32, #tpu.memory_space<vmem>> -> memref<1x80x128xf32, #tpu.memory_space<vmem>>
        %dma_start3A_305 = tpu.memref_squeeze %dma_start3A_304 : memref<1x80x128xf32, #tpu.memory_space<vmem>> -> memref<80x128xf32, #tpu.memory_space<vmem>>
        tpu.enqueue_dma source(%dma_start3A_305 : memref<80x128xf32, #tpu.memory_space<vmem>>) target(%dma_start3A_301 : memref<80x128xf32, #tpu.memory_space<hbm>>) target_semaphore(%arg26 : memref<!tpu.dma_semaphore, #tpu.memory_space<semaphore_mem>>)
        %dma_start3A_306 = arith.constant 0 : i32
        %dma_start3A_307 = tpu.memref_slice %arg25[%select_n3A_232, %dma_start3A_306] : memref<2x80xf32, #tpu.memory_space<vmem>> -> memref<1x80xf32, #tpu.memory_space<vmem>>
        %dma_start3A_308 = tpu.memref_squeeze %dma_start3A_307 : memref<1x80xf32, #tpu.memory_space<vmem>> -> memref<80xf32, #tpu.memory_space<vmem>>
        %dma_start3A_309 = tpu.memref_slice %arg8[%multiple_of3A_238] : memref<5120xf32, #tpu.memory_space<hbm>> -> memref<80xf32, #tpu.memory_space<hbm>>
        %dma_start3A_310 = tpu.memref_slice %arg8[%multiple_of3A_238] : memref<5120xf32, #tpu.memory_space<hbm>> -> memref<80xf32, #tpu.memory_space<hbm>>
        %dma_start3A_311 = arith.constant 0 : i32
        %dma_start3A_312 = tpu.memref_slice %arg25[%select_n3A_232, %dma_start3A_311] : memref<2x80xf32, #tpu.memory_space<vmem>> -> memref<1x80xf32, #tpu.memory_space<vmem>>
        %dma_start3A_313 = tpu.memref_squeeze %dma_start3A_312 : memref<1x80xf32, #tpu.memory_space<vmem>> -> memref<80xf32, #tpu.memory_space<vmem>>
        tpu.enqueue_dma source(%dma_start3A_313 : memref<80xf32, #tpu.memory_space<vmem>>) target(%dma_start3A_310 : memref<80xf32, #tpu.memory_space<hbm>>) target_semaphore(%arg26 : memref<!tpu.dma_semaphore, #tpu.memory_space<semaphore_mem>>)
      } else {
      }
      %eq3A_288 = arith.constant 1 : i32
      %eq3A_289 = arith.cmpi eq, %arg0, %eq3A_288 : i32
      %convert_element_type3A_290 = arith.extui %eq3A_289 : i1 to i32
      %cond3A_291 = arith.constant 0 : i32
      %cond3A_292 = arith.cmpi ne, %convert_element_type3A_290, %cond3A_291 : i32
      scf.if %cond3A_292 {
        %dma_start3A_294 = arith.constant 0 : i32
        %dma_start3A_295 = arith.constant 0 : i32
        %dma_start3A_296 = tpu.memref_slice %arg19[%select_n3A_232, %dma_start3A_294, %dma_start3A_295] : memref<2x80x128xf32, #tpu.memory_space<vmem>> -> memref<1x80x128xf32, #tpu.memory_space<vmem>>
        %dma_start3A_297 = tpu.memref_squeeze %dma_start3A_296 : memref<1x80x128xf32, #tpu.memory_space<vmem>> -> memref<80x128xf32, #tpu.memory_space<vmem>>
        %dma_start3A_298 = arith.constant 0 : i32
        %dma_start3A_299 = tpu.memref_slice %arg7[%multiple_of3A_238, %dma_start3A_298] : memref<5120x128xf32, #tpu.memory_space<hbm>> -> memref<80x128xf32, #tpu.memory_space<hbm>>
        %dma_start3A_300 = arith.constant 0 : i32
        %dma_start3A_301 = tpu.memref_slice %arg7[%multiple_of3A_238, %dma_start3A_300] : memref<5120x128xf32, #tpu.memory_space<hbm>> -> memref<80x128xf32, #tpu.memory_space<hbm>>
        %dma_start3A_302 = arith.constant 0 : i32
        %dma_start3A_303 = arith.constant 0 : i32
        %dma_start3A_304 = tpu.memref_slice %arg19[%select_n3A_232, %dma_start3A_302, %dma_start3A_303] : memref<2x80x128xf32, #tpu.memory_space<vmem>> -> memref<1x80x128xf32, #tpu.memory_space<vmem>>
        %dma_start3A_305 = tpu.memref_squeeze %dma_start3A_304 : memref<1x80x128xf32, #tpu.memory_space<vmem>> -> memref<80x128xf32, #tpu.memory_space<vmem>>
        tpu.enqueue_dma source(%dma_start3A_305 : memref<80x128xf32, #tpu.memory_space<vmem>>) target(%dma_start3A_301 : memref<80x128xf32, #tpu.memory_space<hbm>>) target_semaphore(%arg26 : memref<!tpu.dma_semaphore, #tpu.memory_space<semaphore_mem>>)
        %dma_start3A_306 = arith.constant 0 : i32
        %dma_start3A_307 = tpu.memref_slice %arg25[%select_n3A_232, %dma_start3A_306] : memref<2x80xf32, #tpu.memory_space<vmem>> -> memref<1x80xf32, #tpu.memory_space<vmem>>
        %dma_start3A_308 = tpu.memref_squeeze %dma_start3A_307 : memref<1x80xf32, #tpu.memory_space<vmem>> -> memref<80xf32, #tpu.memory_space<vmem>>
        %dma_start3A_309 = tpu.memref_slice %arg9[%multiple_of3A_238] : memref<5120xf32, #tpu.memory_space<hbm>> -> memref<80xf32, #tpu.memory_space<hbm>>
        %dma_start3A_310 = tpu.memref_slice %arg9[%multiple_of3A_238] : memref<5120xf32, #tpu.memory_space<hbm>> -> memref<80xf32, #tpu.memory_space<hbm>>
        %dma_start3A_311 = arith.constant 0 : i32
        %dma_start3A_312 = tpu.memref_slice %arg25[%select_n3A_232, %dma_start3A_311] : memref<2x80xf32, #tpu.memory_space<vmem>> -> memref<1x80xf32, #tpu.memory_space<vmem>>
        %dma_start3A_313 = tpu.memref_squeeze %dma_start3A_312 : memref<1x80xf32, #tpu.memory_space<vmem>> -> memref<80xf32, #tpu.memory_space<vmem>>
        tpu.enqueue_dma source(%dma_start3A_313 : memref<80xf32, #tpu.memory_space<vmem>>) target(%dma_start3A_310 : memref<80xf32, #tpu.memory_space<hbm>>) target_semaphore(%arg26 : memref<!tpu.dma_semaphore, #tpu.memory_space<semaphore_mem>>)
      } else {
      }
      %scan3A_293 = arith.constant 0 : i32
      scf.yield %scan3A_293 : i32
    }
    %scan3A_188 = arith.constant 4 : i32
    %dma_wait3A_189 = arith.constant 1 : i32
    %dma_wait3A_190 = arith.constant 0 : i32
    %dma_wait3A_191 = arith.constant 0 : i32
    %dma_wait3A_192 = tpu.memref_slice %arg19[%dma_wait3A_189, %dma_wait3A_190, %dma_wait3A_191] : memref<2x80x128xf32, #tpu.memory_space<vmem>> -> memref<1x80x128xf32, #tpu.memory_space<vmem>>
    %dma_wait3A_193 = tpu.memref_squeeze %dma_wait3A_192 : memref<1x80x128xf32, #tpu.memory_space<vmem>> -> memref<80x128xf32, #tpu.memory_space<vmem>>
    %dma_wait3A_194 = arith.constant 0 : i32
    %dma_wait3A_195 = arith.constant 0 : i32
    %dma_wait3A_196 = tpu.memref_slice %arg6[%dma_wait3A_194, %dma_wait3A_195] : memref<5120x128xf32, #tpu.memory_space<hbm>> -> memref<80x128xf32, #tpu.memory_space<hbm>>
    %dma_wait3A_197 = arith.constant 0 : i32
    %dma_wait3A_198 = arith.constant 0 : i32
    %dma_wait3A_199 = tpu.memref_slice %arg6[%dma_wait3A_197, %dma_wait3A_198] : memref<5120x128xf32, #tpu.memory_space<hbm>> -> memref<80x128xf32, #tpu.memory_space<hbm>>
    %dma_wait3A_200 = arith.constant 0 : i32
    %dma_wait3A_201 = arith.constant 0 : i32
    %dma_wait3A_202 = tpu.memref_slice %arg19[%dma_wait3A_189, %dma_wait3A_200, %dma_wait3A_201] : memref<2x80x128xf32, #tpu.memory_space<vmem>> -> memref<1x80x128xf32, #tpu.memory_space<vmem>>
    %dma_wait3A_203 = tpu.memref_squeeze %dma_wait3A_202 : memref<1x80x128xf32, #tpu.memory_space<vmem>> -> memref<80x128xf32, #tpu.memory_space<vmem>>
    tpu.wait_dma2 semaphore(%arg26 : memref<!tpu.dma_semaphore, #tpu.memory_space<semaphore_mem>>) src(%dma_wait3A_203 : memref<80x128xf32, #tpu.memory_space<vmem>>) dst(%dma_wait3A_199 : memref<80x128xf32, #tpu.memory_space<hbm>>)
    %dma_wait3A_204 = arith.constant 1 : i32
    %dma_wait3A_205 = arith.constant 0 : i32
    %dma_wait3A_206 = tpu.memref_slice %arg25[%dma_wait3A_204, %dma_wait3A_205] : memref<2x80xf32, #tpu.memory_space<vmem>> -> memref<1x80xf32, #tpu.memory_space<vmem>>
    %dma_wait3A_207 = tpu.memref_squeeze %dma_wait3A_206 : memref<1x80xf32, #tpu.memory_space<vmem>> -> memref<80xf32, #tpu.memory_space<vmem>>
    %dma_wait3A_208 = arith.constant 0 : i32
    %dma_wait3A_209 = tpu.memref_slice %arg8[%dma_wait3A_208] : memref<5120xf32, #tpu.memory_space<hbm>> -> memref<80xf32, #tpu.memory_space<hbm>>
    %dma_wait3A_210 = arith.constant 0 : i32
    %dma_wait3A_211 = tpu.memref_slice %arg8[%dma_wait3A_210] : memref<5120xf32, #tpu.memory_space<hbm>> -> memref<80xf32, #tpu.memory_space<hbm>>
    %dma_wait3A_212 = arith.constant 0 : i32
    %dma_wait3A_213 = tpu.memref_slice %arg25[%dma_wait3A_204, %dma_wait3A_212] : memref<2x80xf32, #tpu.memory_space<vmem>> -> memref<1x80xf32, #tpu.memory_space<vmem>>
    %dma_wait3A_214 = tpu.memref_squeeze %dma_wait3A_213 : memref<1x80xf32, #tpu.memory_space<vmem>> -> memref<80xf32, #tpu.memory_space<vmem>>
    tpu.wait_dma2 semaphore(%arg26 : memref<!tpu.dma_semaphore, #tpu.memory_space<semaphore_mem>>) src(%dma_wait3A_214 : memref<80xf32, #tpu.memory_space<vmem>>) dst(%dma_wait3A_211 : memref<80xf32, #tpu.memory_space<hbm>>)
    return
  }
}

module attributes {stable_mosaic.version = 14 : i64} {
  func.func @body(%arg0: i32, %arg1: memref<1000x128xf32, #tpu.memory_space<vmem>>, %arg2: memref<1000x128xf32, #tpu.memory_space<vmem>>, %arg3: memref<1000x1xf32, #tpu.memory_space<vmem>>, %arg4: memref<1000x1xf32, #tpu.memory_space<vmem>>, %arg5: memref<128x128xf32, #tpu.memory_space<vmem>>, %arg6: memref<1x128xf32, #tpu.memory_space<vmem>>, %arg7: memref<1000x128xf32, #tpu.memory_space<vmem>>) attributes {dimension_semantics = [#tpu.dimension_semantics<arbitrary>], iteration_bounds = array<i64: 5>, scalar_prefetch = 0 : i64, scratch_operands = 0 : i64, tpu.core_type = #tpu.core_type<tc>, window_params = [{transform_indices = @transform_0, window_bounds = array<i64: 1000, 128>}, {transform_indices = @transform_1, window_bounds = array<i64: 1000, 128>}, {transform_indices = @transform_2, window_bounds = array<i64: 1000, 1>}, {transform_indices = @transform_3, window_bounds = array<i64: 1000, 1>}, {pipeline_mode = #tpu.pipeline_mode<synchronous>, transform_indices = @transform_4, window_bounds = array<i64: 128, 128>}, {pipeline_mode = #tpu.pipeline_mode<synchronous>, transform_indices = @transform_5, window_bounds = array<i64: 1, 128>}, {transform_indices = @transform_6, window_bounds = array<i64: 1000, 128>}]} {
    %get3A = arith.constant 0 : index
    %get3A_0 = arith.constant 0 : index
    %get3A_1 = vector.load %arg1[%get3A, %get3A_0] : memref<1000x128xf32, #tpu.memory_space<vmem>>, vector<1000x128xf32>
    %get3A_2 = arith.constant 0 : index
    %get3A_3 = arith.constant 0 : index
    %get3A_4 = vector.load %arg2[%get3A_2, %get3A_3] : memref<1000x128xf32, #tpu.memory_space<vmem>>, vector<1000x128xf32>
    %add3A = arith.addf %get3A_1, %get3A_4 : vector<1000x128xf32>
    %get3A_5 = arith.constant 0 : index
    %get3A_6 = arith.constant 0 : index
    %get3A_7 = vector.load %arg3[%get3A_5, %get3A_6] : memref<1000x1xf32, #tpu.memory_space<vmem>>, vector<1000x1xf32>
    %get3A_8 = arith.constant 0 : index
    %get3A_9 = arith.constant 0 : index
    %get3A_10 = vector.load %arg4[%get3A_8, %get3A_9] : memref<1000x1xf32, #tpu.memory_space<vmem>>, vector<1000x1xf32>
    %add3A_11 = arith.addf %get3A_7, %get3A_10 : vector<1000x1xf32>
    %sub3A = arith.constant 1.000000e+00 : f32
    %sub3A_12 = vector.broadcast %sub3A : f32 to vector<1000x1xf32>
    %sub3A_13 = arith.subf %add3A_11, %sub3A_12 : vector<1000x1xf32>
    %div3A = vector.broadcast %sub3A_13 : vector<1000x1xf32> to vector<1000x128xf32>
    %div3A_14 = arith.divf %add3A, %div3A : vector<1000x128xf32>
    %get3A_15 = arith.constant 0 : index
    %get3A_16 = arith.constant 0 : index
    %get3A_17 = vector.load %arg5[%get3A_15, %get3A_16] : memref<128x128xf32, #tpu.memory_space<vmem>>, vector<128x128xf32>
    %dot_general3A = arith.constant dense<0.000000e+00> : vector<1000x128xf32>
    %dot_general3A_18 = tpu.matmul %div3A_14, %get3A_17, %dot_general3A {dimension_numbers = #tpu.dot_dimension_numbers<[1], [1], [0], [0], [0, 0, 1, 0], [], []>, transpose_lhs_hint = false} : vector<1000x128xf32>, vector<128x128xf32>, vector<1000x128xf32> -> vector<1000x128xf32>
    %get3A_19 = arith.constant 0 : index
    %get3A_20 = arith.constant 0 : index
    %get3A_21 = vector.load %arg6[%get3A_19, %get3A_20] : memref<1x128xf32, #tpu.memory_space<vmem>>, vector<1x128xf32>
    %add3A_22 = vector.broadcast %get3A_21 : vector<1x128xf32> to vector<1000x128xf32>
    %add3A_23 = arith.addf %dot_general3A_18, %add3A_22 : vector<1000x128xf32>
    %swap3A = arith.constant 0 : index
    %swap3A_24 = arith.constant 0 : index
    %swap3A_25 = vector.load %arg7[%swap3A, %swap3A_24] : memref<1000x128xf32, #tpu.memory_space<vmem>>, vector<1000x128xf32>
    tpu.vector_store %arg7[%swap3A, %swap3A_24], %add3A_23 {strides = array<i32>} : memref<1000x128xf32, #tpu.memory_space<vmem>>, vector<1000x128xf32>,
    return
  }
  func.func @transform_0(%arg0: i32) -> (i32, i32) {
    %c0_i32 = arith.constant 0 : i32
    %c0_i32_0 = arith.constant 0 : i32
    return %arg0, %c0_i32 : i32, i32
  }
  func.func @transform_1(%arg0: i32) -> (i32, i32) {
    %c0_i32 = arith.constant 0 : i32
    %c0_i32_0 = arith.constant 0 : i32
    return %arg0, %c0_i32 : i32, i32
  }
  func.func @transform_2(%arg0: i32) -> (i32, i32) {
    %c0_i32 = arith.constant 0 : i32
    %c0_i32_0 = arith.constant 0 : i32
    return %arg0, %c0_i32 : i32, i32
  }
  func.func @transform_3(%arg0: i32) -> (i32, i32) {
    %c0_i32 = arith.constant 0 : i32
    %c0_i32_0 = arith.constant 0 : i32
    return %arg0, %c0_i32 : i32, i32
  }
  func.func @transform_4(%arg0: i32) -> (i32, i32) {
    %c0_i32 = arith.constant 0 : i32
    %c0_i32_0 = arith.constant 0 : i32
    %c0_i32_1 = arith.constant 0 : i32
    return %c0_i32, %c0_i32_0 : i32, i32
  }
  func.func @transform_5(%arg0: i32) -> (i32, i32) {
    %c0_i32 = arith.constant 0 : i32
    %c0_i32_0 = arith.constant 0 : i32
    %c0_i32_1 = arith.constant 0 : i32
    return %c0_i32, %c0_i32_0 : i32, i32
  }
  func.func @transform_6(%arg0: i32) -> (i32, i32) {
    %c0_i32 = arith.constant 0 : i32
    %c0_i32_0 = arith.constant 0 : i32
    return %arg0, %c0_i32 : i32, i32
  }
}

</mosaic_0001>

<sc_bundles>
// kernel: kernel.4.cloned.1.call-start
scs
__scs_entry_jumppad:
0x0: {  	(pc) =	sbr.rel $0x88, $3  }
0x1: {  	(tag) =	ssettag $0x0;
	lr =	simm.s32 $0x1  }
0x2: {  	[smem:$0x3F9C] =	sst lr;
	_ =	strace $0xD0000000  }
0x3: {  	_ = 	snop  }
0x4: {  	_ = 	snop  }
0x5: {  	_ = 	snop  }
0x6: {  	_ = 	snop  }
0x7: {  	_ = 	snop  }
__scs_overlays_trampoline_lowered:
0x8: {  	[smem:$0x3FAB] =	sst s0  }
0x9: {  	[smem:$0x3FAC] =	sst s1  }
0xa: {  	[smem:$0x3FAD] =	sst s2  }
0xb: {  	[smem:$0x3FAE] =	sst s3  }
0xc: {  	[smem:$0x3FAF] =	sst s4  }
0xd: {  	[smem:$0x3FB0] =	sst s5  }
0xe: {  	[smem:$0x3FB1] =	sst s6  }
0xf: {  	[smem:$0x3FB2] =	sst s7  }
0x10: {  	[smem:$0x3FB3] =	sst s8  }
0x11: {  	[smem:$0x3FB4] =	sst s9;
	s0 =	simm.s32 @!p0 $0x0  }
0x12: {  	s1 =	sld [smem:$0x3F9A];
	s0 =	simm.s32 @p0 $0x1  }
0x13: {  	[smem:$0x3FB5] =	sst s0;
	s0 =	simm.s32 @!p1 $0x0  }
0x14: {  	s2 =	sld [smem:$0x3F99];
	s0 =	simm.s32 @p1 $0x1  }
0x15: {  	[smem:$0x3FB6] =	sst s0;
	s0 =	simm.s32 @!p2 $0x0  }
0x16: {  	s3 =	sld [smem:$0x3FDB];
	s0 =	simm.s32 @p2 $0x1  }
0x17: {  	s4 =	simm.s32 $0x1BF5;
	[smem:$0x3FB8] =	sst s0  }
0x18: {  	s0 =	sld [smem:$0x3F9B];
	_ =	swait.ge [sflag:s4], $0x0  }
0x19: {  	s7 =	sld [smem:$0x3F9C]  }
0x1a: {  	s8 =	sadd.s32 $0xFFFFE003, lr  }
0x1b: {  	s9 =	sadd.s32 $0xFFFFFEF7, lr;
	s5 =	simm.s32 $0xFFFFFFFF;
	p2 =	slt.u32 s8, $0xFFFFF086  }
0x1c: {  	p1 =	slt.u32 s9, $0xF7A;
	s5 =	simm.s32 @!p2 $0x0  }
0x1d: {  	s5 =	simm.s32 @p1 $0x1;
	p0 =	seq.s32 s7, s2  }
0x1e: {  	s7 =	smul.u32 @!p0 $0xF7A, s2;
	p2 =	seq.s32 @!p0 s5, $0x0  }
0x1f: {  	s9 =	smul.u32 $0xF7A, s1;
	s8 =	simm.s32 @!p0 $0x1BF5;
	p2 =	por !p2, p0  }
0x20: {  	[sflag:s8] =	ssyncset.s32 @!p0 $0xFFFFF086;
	s6 =	sadd.s32 @!p0 s3, s7;
	s7 =	simm.s32 @!p0 $0x108  }
0x21: {  	s3 =	sadd.s32 s3, s9;
	s6 =	sadd.s32 @!p0 $0x88, s6;
	s7 =	simm.s32 @p2 $0x1082  }
0x22: {  	[simem:s7], [sflag:s8] =	dma.local @!p0 [hbm:s6], $0xF7A  }
0x23: {  	s9 =	sor.u32 $0xD0000000, s2;
	s6 =	simm.s32 $0x108;
	_ =	swait.ge @!p0 [sflag:s8], $0x0  }
0x24: {  	s3 =	sadd.s32 $0x88, s3;
	s6 =	simm.s32 @!p1 $0x1082;
	[sflag:s4] =	ssyncset.s32 $0xFFFFF086  }
0x25: {  	[simem:s6], [sflag:s4] =	dma.local [hbm:s3], $0xF7A  }
0x26: {  	[smem:$0x3F9C] =	sst s1;
	(tag) =	ssettag s2;
	_ =	strace s9  }
0x27: {  	s1 =	sld [smem:$0x3FAC]  }
0x28: {  	s2 =	sld [smem:$0x3FAD]  }
0x29: {  	s4 =	sld [smem:$0x3FAF]  }
0x2a: {  	p0 =	seq.s32 s5, $0x0;
	s5 =	sld [smem:$0x3FB0]  }
0x2b: {  	s6 =	sld [smem:$0x3FB1]  }
0x2c: {  	s7 =	sld [smem:$0x3FB2]  }
0x2d: {  	s3 =	simm.s32 $0x108;
	s8 =	sld [smem:$0x3FB3]  }
0x2e: {  	s3 =	simm.s32 @!p0 $0x1082;
	s9 =	sld [smem:$0x3FB4]  }
0x2f: {  	lr =	sadd.s32 s0, s3;
	s0 =	sld [smem:$0x3FAB]  }
0x30: {  	s3 =	sld [smem:$0x3FAE]  }
0x31: {  	[smem:$0x3FB7] =	sst s10  }
0x32: {  	s10 =	sld [smem:$0x3FB5];
	_ =	sdelay $0x3  }
0x33: {  	p0 =	seq.s32 s10, $0x1;
	s10 =	sld [smem:$0x3FB7];
	_ =	sdelay $0x3  }
0x34: {  	[smem:$0x3FB7] =	sst s10  }
0x35: {  	s10 =	sld [smem:$0x3FB6];
	_ =	sdelay $0x3  }
0x36: {  	p1 =	seq.s32 s10, $0x1;
	s10 =	sld [smem:$0x3FB7];
	_ =	sdelay $0x3  }
0x37: {  	[smem:$0x3FB7] =	sst s10  }
0x38: {  	s10 =	sld [smem:$0x3FB8]  }
0x39: {  	_ = 	snop;
	(pc) =	sbr.ind lr, $3  }
0x3a: {  	_ = 	snop  }
0x3b: {  	_ = 	snop  }
0x3c: {  	p2 =	seq.s32 s10, $0x1;
	s10 =	sld [smem:$0x3FB7]  }
0x3d: {  	_ =	shalt  }
0x3e: {  	_ =	shalt  }
0x3f: {  	_ =	shalt  }
0x40: {  	_ =	shalt  }
0x41: {  	_ =	shalt  }
0x42: {  	_ =	shalt  }
0x43: {  	_ =	shalt  }
0x44: {  	_ =	shalt  }
0x45: {  	_ =	shalt  }
0x46: {  	_ =	shalt  }
0x47: {  	_ =	shalt  }
0x48: {  	_ =	shalt  }
0x49: {  	_ =	shalt  }
0x4a: {  	_ =	shalt  }
0x4b: {  	_ =	shalt  }
0x4c: {  	_ =	shalt  }
0x4d: {  	_ =	shalt  }
0x4e: {  	_ =	shalt  }
0x4f: {  	_ =	shalt  }
0x50: {  	_ =	shalt  }
0x51: {  	_ =	shalt  }
0x52: {  	_ =	shalt  }
0x53: {  	_ =	shalt  }
0x54: {  	_ =	shalt  }
0x55: {  	_ =	shalt  }
0x56: {  	_ =	shalt  }
0x57: {  	_ =	shalt  }
0x58: {  	_ =	shalt  }
0x59: {  	_ =	shalt  }
0x5a: {  	_ =	shalt  }
0x5b: {  	_ =	shalt  }
0x5c: {  	_ =	shalt  }
0x5d: {  	_ =	shalt  }
0x5e: {  	_ =	shalt  }
0x5f: {  	_ =	shalt  }
0x60: {  	_ =	shalt  }
0x61: {  	_ =	shalt  }
0x62: {  	_ =	shalt  }
0x63: {  	_ =	shalt  }
0x64: {  	_ =	shalt  }
0x65: {  	_ =	shalt  }
0x66: {  	_ =	shalt  }
0x67: {  	_ =	shalt  }
0x68: {  	_ =	shalt  }
0x69: {  	_ =	shalt  }
0x6a: {  	_ =	shalt  }
0x6b: {  	_ =	shalt  }
0x6c: {  	_ =	shalt  }
0x6d: {  	_ =	shalt  }
0x6e: {  	_ =	shalt  }
0x6f: {  	_ =	shalt  }
0x70: {  	_ =	shalt  }
0x71: {  	_ =	shalt  }
0x72: {  	_ =	shalt  }
0x73: {  	_ =	shalt  }
0x74: {  	_ =	shalt  }
0x75: {  	_ =	shalt  }
0x76: {  	_ =	shalt  }
0x77: {  	_ =	shalt  }
0x78: {  	_ =	shalt  }
0x79: {  	_ =	shalt  }
0x7a: {  	_ =	shalt  }
0x7b: {  	_ =	shalt  }
0x7c: {  	_ =	shalt  }
0x7d: {  	_ =	shalt  }
0x7e: {  	_ =	shalt  }
0x7f: {  	_ =	shalt  }
0x80: {  	_ =	shalt  }
0x81: {  	_ =	shalt  }
0x82: {  	_ =	shalt  }
0x83: {  	_ =	shalt  }
0x84: {  	_ =	shalt  }
0x85: {  	_ =	shalt  }
0x86: {  	_ =	shalt  }
0x87: {  	_ =	shalt  }
.Lfunc_end0:
.L_simem_size_0:
called_computation_lowered:
.L_overlay_start_0:
0x88: {  	s2 =	sld [smem:$0x3FD9]  }
0x89: {  	s3 =	sld [smem:$0x3FFE];
	_ =	sdelay $0x1  }
0x8a: {  	s1 =	srdreg.scid  }
0x8b: {  	s0 =	sand.u32 $0x1, s1  }
0x8c: {  	s14 =	sshll.u32 s0, $0xA;
	s2 =	sadd.s32 s3, s2  }
0x8d: {  	s2 =	sadd.s32 s2, s14  }
0x8e: {  	[smem:$0x3FC3] =	sst s2  }
0x8f: {  	_ = 	snop  }
0x90: {  	s2 =	sld [smem:$0x3FD0];
	_ =	sdelay $0x1  }
0x91: {  	s15 =	sld [smem:$0x3FC9]  }
0x92: {  	s5 =	simm.s32 $0xA;
	s6 =	simm.s32 $0x10;
	s4 =	sld [smem:$0x3FC7]  }
0x93: {  	[smem:s6], [sflag:s5] =	dma.local [hbm:s2], $0x1  }
0x94: {  	_ =	swait.eq [sflag:s5], $0x1  }
0x95: {  	[sflag:s5] =	ssyncset.done $0x0  }
0x96: {  	s16 =	sld [smem:$0x10];
	[sflag:s5] =	ssyncadd.s32 $0xFFFFFFFF  }
0x97: {  	s17 =	sld [smem:$0x11];
	(tm) =	ssettm $0x1  }
0x98: {  	s18 =	sld [smem:$0x3FFB];
	_ =	sdelay $0x3  }
0x99: {  	_ =	strace s18  }
0x9a: {  	s6 =	sld [smem:$0x3FFC];
	_ =	sdelay $0x3  }
0x9b: {  	_ =	strace s6  }
0x9c: {  	s6 =	sld [smem:$0x3FFD];
	_ =	sdelay $0x3  }
0x9d: {  	_ =	strace s6  }
0x9e: {  	_ =	strace $0x8FFFFFFF  }
0x9f: {  	s19 =	sld [smem:$0x3FDB];
	_ =	sdelay $0x1  }
0xa0: {  	s7 =	simm.s32 $_scs_section_size  }
0xa1: {  	s8 =	simm.s32 $_size__tile_overlayer_lowered;
	s9 =	simm.s32 $_tile_overlayer_lowered  }
0xa2: {  	s22 =	simm.s32 $0x1BFF;
	s21 =	sshll.u32 s9, $0x1;
	s6 =	sadd.s32 s7, s19  }
0xa3: {  	s10 =	simm.s32 $0x0;
	s20 =	sshll.u32 s8, $0x1;
	s8 =	sadd.s32 s21, s6  }
0xa4: {  	[timem:s10], [sflag:s22] =	dma.local [hbm:s8], s20  }
0xa5: {  	_ =	swait.ge [sflag:s22], s20  }
0xa6: {  	s7 =	ssub.s32 $0x0, s20;
	[sflag:s22] =	ssyncset.done $0x0  }
0xa7: {  	[sflag:s22] =	ssyncadd.s32 s7;
	_ =	sdelay $0x1  }
0xa8: {  	s23 =	simm.s32 $0x1B8B  }
0xa9: {  	_ =	swait.ge [sflag:s23], $0x1  }
0xaa: {  	[sflag:s23] =	ssyncset.done $0x0  }
0xab: {  	s25 =	simm.s32 $0x1B8E;
	s24 =	sld [smem:$0x3FFE];
	[sflag:s23] =	ssyncadd.s32 $0xFFFFFFFF  }
0xac: {  	s26 =	simm.s32 $execute0_lowered;
	[smem:$0x3FD2] =	sst s25  }
0xad: {  	s8 =	sshll.u32 s26, $0x1;
	_ =	strace $0x80000046;
	[dreg:$0x1] =	wrdreg $0xFFFFFFFF  }
0xae: {  	s28 =	simm.s32 $_size_execute0_lowered;
	s6 =	sadd.s32 s6, s8;
	[dreg:$0x0] =	wrdreg $0x0  }
0xaf: {  	s8 =	sshll.u32 s28, $0x1;
	[dreg:$0x2] =	wrdreg s6  }
0xb0: {  	[dreg:$0x3] =	wrdreg s8  }
0xb1: {  	[dreg:$0x4] =	wrdreg $0xC0  }
0xb2: {  	_ =	task [dreg:s10], $0x5FFFF  }
0xb3: {  	[dreg:$0x1] =	wrdreg $0xFFFFFFFF  }
0xb4: {  	[dreg:$0x0] =	wrdreg $0x60  }
0xb5: {  	[dreg:$0x2] =	wrdreg s15  }
0xb6: {  	[dreg:$0x3] =	wrdreg s24  }
0xb7: {  	[dreg:$0x4] =	wrdreg s16  }
0xb8: {  	[dreg:$0x5] =	wrdreg s4  }
0xb9: {  	[dreg:$0x6] =	wrdreg s17  }
0xba: {  	[dreg:$0x7] =	wrdreg $0x0  }
0xbb: {  	[dreg:$0x8] =	wrdreg $0xA0400  }
0xbc: {  	[dreg:$0x9] =	wrdreg $0x9  }
0xbd: {  	_ =	task.clear_ibuf [dreg:s10], $0xAFFFF;
	_ =	strace $0x90000046  }
0xbe: {  	s29 =	simm.s32 $0x9;
	_ =	strace $0x80000048  }
0xbf: {  	_ =	swait.ge [sflag:s29], $0x1  }
0xc0: {  	[sflag:s29] =	ssyncadd.s32 $0xFFFFFFFF  }
0xc1: {  	_ =	strace $0x90000048  }
0xc2: {  	_ =	sfence  }
0xc3: {  	s30 =	sld [smem:$0x0];
	_ =	sdelay $0x2  }
0xc4: {  	s31 =	sshll.u32 s1, $0xD;
	s1 =	sshrl.u32 s1, $0x2  }
0xc5: {  	s3 =	sand.u32 $0x4000, s31;
	s1 =	sadd.s32 s1, s30  }
0xc6: {  	s0 =	sor.u32 s3, s0;
	s1 =	sshll.u32 s1, $0x11  }
0xc7: {  	s0 =	sor.u32 s1, s0  }
0xc8: {  	s0 =	sadd.s32 $0x8F2B, s0  }
0xc9: {  	[sflag:s0] =	ssyncadd.remote.s32 $0x1  }
0xca: {  	_ =	sfence.sel $0xFFFF  }
0xcb: {  	[dreg:$0x0] =	wrdreg $0xFFFFFFFF;
	(pc) =	sbr.abs _section_cstart, $3  }
0xcc: {  	[dreg:$0x1] =	wrdreg $0xFFFFFFFF  }
0xcd: {  	_ =	task.clear_ibuf [dreg:s10], $0x2FFFF;
	_ =	strace $0x9FFFFFFF  }
0xce: {  	(tm) =	ssettm $0x7FFFFFFF  }
0xcf: {  	_ =	shalt  }
tec
execute0_lowered:
.L_overlay_start_1:
0x0: {  	(tag) =	ssettag $0x1  }
0x1: {  	s0 =	rddreg [dreg:$0x0]  }
0x2: {  	s1 =	rddreg [dreg:$0x1]  }
0x3: {  	s2 =	rddreg [dreg:$0x2]  }
0x4: {  	s17 =	rddreg [dreg:$0x3]  }
0x5: {  	s3 =	rddreg [dreg:$0x4];
	s5 =	srdreg.scid  }
0x6: {  	s4 =	rddreg [dreg:$0x5];
	s19 =	stileid.u32;
	s6 =	simm.s32 $0x0  }
0x7: {  	s28 =	simm.s32 $0x1;
	s8 =	sand.u32 $0x1, s5;
	s5 =	rddreg [dreg:$0x6]  }
0x8: {  	s29 =	simm.s32 $0x1CC08;
	[smem:$0x7FF] =	sst s6;
	s12 =	smul.u32 $0xFC0, s19  }
0x9: {  	s11 =	sadd.s32 $0xAE00, s1;
	s15 =	sadd.s32 $0x1EE00, s1;
	s23 =	smul.u32 $0x1400, s19  }
0xa: {  	p2 =	sne.s32 s19, $0xF;
	s7 =	sshll.u32 s8, $0x4;
	_ =	strace $0x80000047  }
0xb: {  	s13 =	ssub.s32 $0x2, s8;
	s14 =	sxor.u32 $0x1, s8;
	s18 =	smul.u32 $0xA0, s8  }
0xc: {  	p0 =	seq.s32 s8, $0x1;
	s7 =	sor.u32 s19, s7;
	s14 =	smul.u32 $0xA0, s14  }
0xd: {  	s16 =	sshrl.u32 s13, $0x1;
	s12 =	sshrl.u32 s12, $0x2;
	s9 =	smul.u32 $0x4E2, s7  }
0xe: {  	s11 =	smov.u32 @p0 s15;
	s7 =	smul.u32 $0x140, s19;
	s20 =	sadd.s32 s12, s5  }
0xf: {  	s13 =	ssub.s32 s13, s16;
	s25 =	sadd.s32 s11, s23;
	[dreg:$0xa] =	wrdreg s20  }
0x10: {  	s22 =	smax.u32 s13, $0x1;
	[dreg:$0xd] =	wrdreg s25;
	s10 =	sadd.s32 s9, s1  }
0x11: {  	s1 =	sadd.s32 $0xAA00, s1;
	s14 =	sadd.s32 s7, s14;
	s9 =	sadd.s32 s2, s9  }
0x12: {  	s12 =	sadd.s32 s18, s7;
	[dreg:$0xc] =	wrdreg s22;
	s24 =	sshrl.u32 s7, $0x3  }
0x13: {  	s18 =	sadd.s32 $0xA0, s7;
	s16 =	sadd.s32 $0xC00, s10;
	s3 =	smov.u32 @p0 s1  }
0x14: {  	s21 =	sshll.u32 s14, $0x7;
	s14 =	sadd.s32 $0x50, s7;
	s26 =	sadd.s32 s3, s24  }
0x15: {  	s21 =	sadd.s32 s21, s4;
	s2 =	sshll.u32 s14, $0x4;
	[dreg:$0xe] =	wrdreg s26  }
0x16: {  	s8 =	sshrl.u32 s14, $0x3;
	s1 =	sadd.s32 s11, s2;
	[dreg:$0xb] =	wrdreg s21  }
0x17: {  	s15 =	sshrl.u32 s18, $0x3;
	s10 =	sadd.s32 s3, s8;
	[dreg:$0xf] =	wrdreg s1  }
0x18: {  	s13 =	sshll.u32 s18, $0x4;
	s2 =	sadd.s32 s3, s15;
	[dreg:$0x10] =	wrdreg s10  }
0x19: {  	s25 =	sadd.s32 $0x50, s12;
	s8 =	sadd.s32 $0x26F, s17;
	[dreg:$0x12] =	wrdreg s2  }
0x1a: {  	p0 =	sgt.u32 s19, $0x4;
	s15 =	sadd.s32 $0x1000, s21;
	[dreg:$0x17] =	wrdreg s8  }
0x1b: {  	p1 =	sne.s32 @p0 s19, $0x5;
	s19 =	sadd.s32 $0x2800, s21;
	[dreg:$0x1b] =	wrdreg s15  }
0x1c: {  	s26 =	sshll.u32 s25, $0x7;
	s1 =	sadd.s32 s11, s13;
	[dreg:$0x1e] =	wrdreg s19  }
0x1d: {  	s30 =	simm.s32 $0x3;
	s2 =	sadd.s32 s26, s4;
	[dreg:$0x11] =	wrdreg s1  }
0x1e: {  	s31 =	simm.s32 $0x4;
	s10 =	sadd.s32 $0x13B0, s5;
	[dreg:$0x16] =	wrdreg s2  }
0x1f: {  	s20 =	sadd.s32 $0xF0, s7;
	s13 =	sadd.s32 $0x800, s21;
	[dreg:$0x18] =	wrdreg s10  }
0x20: {  	s22 =	sshll.u32 s20, $0x4;
	s26 =	sadd.s32 $0x4800, s21;
	[dreg:$0x1a] =	wrdreg s13  }
0x21: {  	s23 =	sshrl.u32 s20, $0x3;
	s1 =	sadd.s32 s11, s22;
	[smem:$0x7FD] =	sst s26  }
0x22: {  	s24 =	sshll.u32 s12, $0x7;
	s11 =	sadd.s32 $0xA0000, s4;
	[dreg:$0x13] =	wrdreg s1  }
0x23: {  	s2 =	smov.u32 s16;
	s16 =	sadd.s32 $0x1800, s21;
	[dreg:$0x19] =	wrdreg s11  }
0x24: {  	p1 =	por p1, !p0;
	s22 =	sadd.s32 $0x3000, s21;
	[dreg:$0x1c] =	wrdreg s16  }
0x25: {  	s19 =	simm.s32 $0x5;
	s8 =	simm.s32 $0x1A408;
	[dreg:$0x1f] =	wrdreg s22  }
0x26: {  	s26 =	simm.s32 $0x17C08;
	s1 =	sadd.s32 s3, s23;
	[dreg:$0x8] =	wrdreg s2  }
0x27: {  	s3 =	smov.u32 s9;
	s23 =	sadd.s32 $0x3800, s21;
	[dreg:$0x14] =	wrdreg s1  }
.Ltmp0:
0x28: {  	s22 =	simm.s32 $0xA188;
	[smem:$0x7FB] =	sst s23;
	(pc) =	sbr.rel .LBB2_1-.Ltmp0, $4  }
0x29: {  	s9 =	simm.s32 $0x0;
	s1 =	sadd.s32 s24, s4;
	[dreg:$0x9] =	wrdreg s3  }
0x2a: {  	v0 =	vlaneseq.u32;
	s24 =	sadd.s32 $0x4000, s21;
	s23 =	simm.s32 $0x50;
	[dreg:$0x15] =	wrdreg s1  }
0x2b: {  	v1 =	vimm.f32 $1.000000000e+00;
	v2 =	vimm.f32 $0.0e+00;
	v3 =	vand.u32 $0x7, v0;
	s1 =	smov.u32 s17;
	s17 =	sadd.s32 $0x2000, s21;
	[smem:$0x7FC] =	sst s24  }
0x2c: {  	vm0 =	vmmov $0xff;
	v5 =	vimm.s32 $0x0;
	v4 =	vor.u32 $0x1400, v3;
	s21 =	simm.s32 $0x2;
	[dreg:$0x1d] =	wrdreg s17;
	s17 =	simm.s32 $0x1D008  }
.LBB2_17:
0x2d: {  	_ =	swait.ge [sflag:s21], $0x2800  }
0x2e: {  	[sflag:s21] =	ssyncset.done $0x0  }
0x2f: {  	s10 =	simm.s32 $0x17B08;
	[sflag:s21] =	ssyncadd.s32 $0xFFFFD800  }
0x30: {  	[spmem:s4] =	stream.indirect.scatter.add.f32 [tilespmem:s26], [sflag:$0x3], $0x80, s10, s23, $0xb8;
	[tilespmem:$0x1DA08] =	vst v63  }
0x31: {  	_ = 	snop  }
0x32: {  	[spmem:s5] =	stream.indirect.scatter.add.f32 [tilespmem:s29], [sflag:$0x4], $0x1, s10, s23, $0xb8;
	[tilespmem:$0x1DA08] =	vst v63  }
.LBB2_21:
0x33: {  	_ =	swait.ge [sflag:s30], $0x2800  }
0x34: {  	[sflag:s30] =	ssyncset.done $0x0  }
0x35: {  	[sflag:s30] =	ssyncadd.s32 $0xFFFFD800  }
0x36: {  	_ =	swait.ge [sflag:s31], $0x50  }
0x37: {  	[sflag:s31] =	ssyncset.done $0x0  }
0x38: {  	[sflag:s31] =	ssyncadd.s32 $0xFFFFFFB0  }
.LBB2_22:
0x39: {  	[bflag:$0x0] =	sbarrier.arrive $0xFFFF  }
0x3a: {  	v6 =	vld [tilespmem:s7+$0xC908];
	_ =	sdelay $0x7  }
0x3b: {  	v6 =	vld.idx.msk [tilespmem:v6+s22+$0x0], $0xffff;
	_ =	sdelay $0x4  }
0x3c: {  	[tilespmem:$0x1D888] =	vst v6  }
0x3d: {  	v6 =	vld [tilespmem:s7+$0xC918];
	_ =	sdelay $0x7  }
0x3e: {  	v6 =	vld.idx.msk [tilespmem:v6+s22+$0x0], $0xffff;
	_ =	sdelay $0x4  }
0x3f: {  	[tilespmem:$0x1D898] =	vst v6  }
0x40: {  	v6 =	vld [tilespmem:s7+$0xC928];
	_ =	sdelay $0x7  }
0x41: {  	v6 =	vld.idx.msk [tilespmem:v6+s22+$0x0], $0xffff;
	_ =	sdelay $0x4  }
0x42: {  	[tilespmem:$0x1D8A8] =	vst v6  }
0x43: {  	v6 =	vld [tilespmem:s7+$0xC938];
	_ =	sdelay $0x7  }
0x44: {  	v6 =	vld.idx.msk [tilespmem:v6+s22+$0x0], $0xffff;
	_ =	sdelay $0x4  }
0x45: {  	[tilespmem:$0x1D8B8] =	vst v6  }
0x46: {  	v6 =	vld [tilespmem:s7+$0xC948];
	_ =	sdelay $0x7  }
0x47: {  	v6 =	vld.idx.msk [tilespmem:v6+s22+$0x0], $0xffff;
	_ =	sdelay $0x4  }
0x48: {  	s8 =	simm.s32 $0x1D888;
	[tilespmem:$0x1D8C8] =	vst v6  }
0x49: {  	[tilespmem:s26], [sflag:$0x2] =	stream.indirect.gather [spmem:s4], $0x80, s8, s23, $0xb8;
	[tilespmem:$0x1DA08] =	vst v63  }
0x4a: {  	s13 =	simm.s32 $0x1D908  }
0x4b: {  	[tilespmem:s13], [sflag:$0x4] =	stream.indirect.gather [spmem:s5], $0x1, s8, s23, $0xb8;
	[tilespmem:$0x1DA08] =	vst v63  }
0x4c: {  	_ =	swait.ge [sflag:s21], $0x2800  }
0x4d: {  	[sflag:s21] =	ssyncset.done $0x0  }
0x4e: {  	[sflag:s21] =	ssyncadd.s32 $0xFFFFD800  }
0x4f: {  	_ =	swait.ge [sflag:s31], $0x50  }
0x50: {  	[sflag:s31] =	ssyncset.done $0x0  }
0x51: {  	s10 =	rddreg [dreg:$0xd];
	[sflag:s31] =	ssyncadd.s32 $0xFFFFFFB0  }
0x52: {  	[hbm4b:s10+s6] =	stream.linear.scatter [tilespmem:s26], [sflag:$0x1], $0x2800, $0x38;
	[tilespmem:$0x1DA08] =	vst v63  }
0x53: {  	s15 =	rddreg [dreg:$0xe]  }
0x54: {  	[hbm4b:s15+s6] =	stream.linear.scatter [tilespmem:s13], [sflag:$0x1], $0x50, $0x38;
	[tilespmem:$0x1DA08] =	vst v63  }
0x55: {  	_ =	swait.ge [sflag:s28], $0x2800  }
0x56: {  	[sflag:s28] =	ssyncset.done $0x0  }
0x57: {  	[sflag:s28] =	ssyncadd.s32 $0xFFFFD800  }
0x58: {  	_ =	swait.ge [sflag:s28], $0x50  }
0x59: {  	[sflag:s28] =	ssyncset.done $0x0  }
0x5a: {  	[sflag:s28] =	ssyncadd.s32 $0xFFFFFFB0  }
0x5b: {  	v6 =	vld [tilespmem:s14+$0xC908];
	_ =	sdelay $0x7  }
0x5c: {  	v6 =	vld.idx.msk [tilespmem:v6+s22+$0x0], $0xffff;
	_ =	sdelay $0x4  }
0x5d: {  	[tilespmem:$0x1D888] =	vst v6  }
0x5e: {  	v6 =	vld [tilespmem:s14+$0xC918];
	_ =	sdelay $0x7  }
0x5f: {  	v6 =	vld.idx.msk [tilespmem:v6+s22+$0x0], $0xffff;
	_ =	sdelay $0x4  }
0x60: {  	[tilespmem:$0x1D898] =	vst v6  }
0x61: {  	v6 =	vld [tilespmem:s14+$0xC928];
	_ =	sdelay $0x7  }
0x62: {  	v6 =	vld.idx.msk [tilespmem:v6+s22+$0x0], $0xffff;
	_ =	sdelay $0x4  }
0x63: {  	[tilespmem:$0x1D8A8] =	vst v6  }
0x64: {  	v6 =	vld [tilespmem:s14+$0xC938];
	_ =	sdelay $0x7  }
0x65: {  	v6 =	vld.idx.msk [tilespmem:v6+s22+$0x0], $0xffff;
	_ =	sdelay $0x4  }
0x66: {  	[tilespmem:$0x1D8B8] =	vst v6  }
0x67: {  	v6 =	vld [tilespmem:s14+$0xC948];
	_ =	sdelay $0x7  }
0x68: {  	v6 =	vld.idx.msk [tilespmem:v6+s22+$0x0], $0xffff;
	_ =	sdelay $0x4  }
0x69: {  	s11 =	simm.s32 $0x1A408;
	[tilespmem:$0x1D8C8] =	vst v6  }
0x6a: {  	[tilespmem:s11], [sflag:$0x2] =	stream.indirect.gather [spmem:s4], $0x80, s8, s23, $0xb8;
	[tilespmem:$0x1DA08] =	vst v63  }
0x6b: {  	s15 =	simm.s32 $0x1D988  }
0x6c: {  	[tilespmem:s15], [sflag:$0x4] =	stream.indirect.gather [spmem:s5], $0x1, s8, s23, $0xb8;
	[tilespmem:$0x1DA08] =	vst v63  }
0x6d: {  	_ =	swait.ge [sflag:s21], $0x2800  }
0x6e: {  	[sflag:s21] =	ssyncset.done $0x0  }
0x6f: {  	[sflag:s21] =	ssyncadd.s32 $0xFFFFD800  }
0x70: {  	_ =	swait.ge [sflag:s31], $0x50  }
0x71: {  	[sflag:s31] =	ssyncset.done $0x0  }
0x72: {  	s16 =	rddreg [dreg:$0xf];
	[sflag:s31] =	ssyncadd.s32 $0xFFFFFFB0  }
0x73: {  	[hbm4b:s16+s6] =	stream.linear.scatter [tilespmem:s11], [sflag:$0x1], $0x2800, $0x38;
	[tilespmem:$0x1DA08] =	vst v63  }
0x74: {  	s24 =	rddreg [dreg:$0x10]  }
0x75: {  	[hbm4b:s24+s6] =	stream.linear.scatter [tilespmem:s15], [sflag:$0x1], $0x50, $0x38;
	[tilespmem:$0x1DA08] =	vst v63  }
0x76: {  	_ =	swait.ge [sflag:s28], $0x2800  }
0x77: {  	[sflag:s28] =	ssyncset.done $0x0  }
0x78: {  	[sflag:s28] =	ssyncadd.s32 $0xFFFFD800  }
0x79: {  	_ =	swait.ge [sflag:s28], $0x50  }
0x7a: {  	[sflag:s28] =	ssyncset.done $0x0  }
0x7b: {  	[sflag:s28] =	ssyncadd.s32 $0xFFFFFFB0  }
0x7c: {  	v6 =	vld [tilespmem:s18+$0xC908];
	_ =	sdelay $0x7  }
0x7d: {  	v6 =	vld.idx.msk [tilespmem:v6+s22+$0x0], $0xffff;
	_ =	sdelay $0x4  }
0x7e: {  	[tilespmem:$0x1D888] =	vst v6  }
0x7f: {  	v6 =	vld [tilespmem:s18+$0xC918];
	_ =	sdelay $0x7  }
0x80: {  	v6 =	vld.idx.msk [tilespmem:v6+s22+$0x0], $0xffff;
	_ =	sdelay $0x4  }
0x81: {  	[tilespmem:$0x1D898] =	vst v6  }
0x82: {  	v6 =	vld [tilespmem:s18+$0xC928];
	_ =	sdelay $0x7  }
0x83: {  	v6 =	vld.idx.msk [tilespmem:v6+s22+$0x0], $0xffff;
	_ =	sdelay $0x4  }
0x84: {  	[tilespmem:$0x1D8A8] =	vst v6  }
0x85: {  	v6 =	vld [tilespmem:s18+$0xC938];
	_ =	sdelay $0x7  }
0x86: {  	v6 =	vld.idx.msk [tilespmem:v6+s22+$0x0], $0xffff;
	_ =	sdelay $0x4  }
0x87: {  	[tilespmem:$0x1D8B8] =	vst v6  }
0x88: {  	v6 =	vld [tilespmem:s18+$0xC948];
	_ =	sdelay $0x7  }
0x89: {  	v6 =	vld.idx.msk [tilespmem:v6+s22+$0x0], $0xffff;
	_ =	sdelay $0x4  }
0x8a: {  	[tilespmem:$0x1D8C8] =	vst v6  }
0x8b: {  	[tilespmem:s26], [sflag:$0x2] =	stream.indirect.gather [spmem:s4], $0x80, s8, s23, $0xb8;
	[tilespmem:$0x1DA08] =	vst v63  }
0x8c: {  	_ = 	snop  }
0x8d: {  	[tilespmem:s13], [sflag:$0x4] =	stream.indirect.gather [spmem:s5], $0x1, s8, s23, $0xb8;
	[tilespmem:$0x1DA08] =	vst v63  }
0x8e: {  	_ =	swait.ge [sflag:s21], $0x2800  }
0x8f: {  	[sflag:s21] =	ssyncset.done $0x0  }
0x90: {  	[sflag:s21] =	ssyncadd.s32 $0xFFFFD800  }
0x91: {  	_ =	swait.ge [sflag:s31], $0x50  }
0x92: {  	[sflag:s31] =	ssyncset.done $0x0  }
0x93: {  	s16 =	rddreg [dreg:$0x11];
	[sflag:s31] =	ssyncadd.s32 $0xFFFFFFB0  }
0x94: {  	[hbm4b:s16+s6] =	stream.linear.scatter [tilespmem:s26], [sflag:$0x1], $0x2800, $0x38;
	[tilespmem:$0x1DA08] =	vst v63  }
0x95: {  	s24 =	rddreg [dreg:$0x12]  }
0x96: {  	[hbm4b:s24+s6] =	stream.linear.scatter [tilespmem:s13], [sflag:$0x1], $0x50, $0x38;
	[tilespmem:$0x1DA08] =	vst v63  }
0x97: {  	_ =	swait.ge [sflag:s28], $0x2800  }
0x98: {  	[sflag:s28] =	ssyncset.done $0x0  }
0x99: {  	[sflag:s28] =	ssyncadd.s32 $0xFFFFD800  }
0x9a: {  	_ =	swait.ge [sflag:s28], $0x50  }
0x9b: {  	[sflag:s28] =	ssyncset.done $0x0  }
0x9c: {  	[sflag:s28] =	ssyncadd.s32 $0xFFFFFFB0  }
0x9d: {  	v6 =	vld [tilespmem:s20+$0xC908];
	_ =	sdelay $0x7  }
0x9e: {  	v6 =	vld.idx.msk [tilespmem:v6+s22+$0x0], $0xffff;
	_ =	sdelay $0x4  }
0x9f: {  	[tilespmem:$0x1D888] =	vst v6  }
0xa0: {  	v6 =	vld [tilespmem:s20+$0xC918];
	_ =	sdelay $0x7  }
0xa1: {  	v6 =	vld.idx.msk [tilespmem:v6+s22+$0x0], $0xffff;
	_ =	sdelay $0x4  }
0xa2: {  	[tilespmem:$0x1D898] =	vst v6  }
0xa3: {  	v6 =	vld [tilespmem:s20+$0xC928];
	_ =	sdelay $0x7  }
0xa4: {  	v6 =	vld.idx.msk [tilespmem:v6+s22+$0x0], $0xffff;
	_ =	sdelay $0x4  }
0xa5: {  	[tilespmem:$0x1D8A8] =	vst v6  }
0xa6: {  	v6 =	vld [tilespmem:s20+$0xC938];
	_ =	sdelay $0x7  }
0xa7: {  	v6 =	vld.idx.msk [tilespmem:v6+s22+$0x0], $0xffff;
	_ =	sdelay $0x4  }
0xa8: {  	[tilespmem:$0x1D8B8] =	vst v6  }
0xa9: {  	v6 =	vld [tilespmem:s20+$0xC948];
	_ =	sdelay $0x7  }
0xaa: {  	v6 =	vld.idx.msk [tilespmem:v6+s22+$0x0], $0xffff;
	_ =	sdelay $0x4  }
0xab: {  	[tilespmem:$0x1D8C8] =	vst v6  }
0xac: {  	[tilespmem:s11], [sflag:$0x2] =	stream.indirect.gather [spmem:s4], $0x80, s8, s23, $0xb8;
	[tilespmem:$0x1DA08] =	vst v63  }
0xad: {  	_ = 	snop  }
0xae: {  	[tilespmem:s15], [sflag:$0x4] =	stream.indirect.gather [spmem:s5], $0x1, s8, s23, $0xb8;
	[tilespmem:$0x1DA08] =	vst v63  }
0xaf: {  	_ =	swait.ge [sflag:s21], $0x2800  }
0xb0: {  	[sflag:s21] =	ssyncset.done $0x0  }
0xb1: {  	[sflag:s21] =	ssyncadd.s32 $0xFFFFD800  }
0xb2: {  	_ =	swait.ge [sflag:s31], $0x50  }
0xb3: {  	[sflag:s31] =	ssyncset.done $0x0  }
0xb4: {  	s13 =	rddreg [dreg:$0x13];
	[sflag:s31] =	ssyncadd.s32 $0xFFFFFFB0  }
0xb5: {  	[hbm4b:s13+s6] =	stream.linear.scatter [tilespmem:s11], [sflag:$0x1], $0x2800, $0x38;
	[tilespmem:$0x1DA08] =	vst v63  }
0xb6: {  	s16 =	rddreg [dreg:$0x14]  }
0xb7: {  	[hbm4b:s16+s6] =	stream.linear.scatter [tilespmem:s15], [sflag:$0x1], $0x50, $0x38;
	[tilespmem:$0x1DA08] =	vst v63  }
0xb8: {  	_ =	swait.ge [sflag:s28], $0x2800  }
0xb9: {  	[sflag:s28] =	ssyncset.done $0x0  }
0xba: {  	[sflag:s28] =	ssyncadd.s32 $0xFFFFD800  }
0xbb: {  	_ =	swait.ge [sflag:s28], $0x50  }
0xbc: {  	s9 =	sadd.s32 $0x1, s9;
	s24 =	rddreg [dreg:$0xc]  }
0xbd: {  	p3 =	sne.s32 s9, s24  }
.Ltmp1:
0xbe: {  	_ = 	snop;
	(pc) =	sbr.rel @!p3 .LBB2_23-.Ltmp1, $3  }
0xbf: {  	_ =	sdelay $0x1  }
0xc0: {  	[sflag:s28] =	ssyncset.done $0x0  }
0xc1: {  	s8 =	simm.s32 $0x1A408;
	[sflag:s28] =	ssyncadd.s32 $0xFFFFFFB0  }
.LBB2_1:
0xc2: {  	s10 =	simm.s32 $0xDD08  }
0xc3: {  	[tilespmem:s10], [sflag:$0x2] =	stream.linear.gather [hbm4b:s2+s6], $0x2710, $0x38;
	[tilespmem:$0x1DA08] =	vst v63  }
0xc4: {  	s15 =	simm.s32 $0x10488  }
0xc5: {  	[tilespmem:s15], [sflag:$0x2] =	stream.linear.gather [hbm4b:s3+s6], $0x2710, $0x38;
	[tilespmem:$0x1DA08] =	vst v63  }
0xc6: {  	s16 =	simm.s32 $0xC908  }
0xc7: {  	[tilespmem:s16], [sflag:$0x2] =	stream.linear.gather [hbm4b:s1+s6], $0x1380, $0x38;
	[tilespmem:$0x1DA08] =	vst v63  }
0xc8: {  	s24 =	rddreg [dreg:$0x17];
	s11 =	simm.s32 $0xDC80  }
0xc9: {  	[tilespmem:s11], [sflag:$0x2] =	stream.linear.gather [hbm4b:s24+s6], $0x10, $0x38;
	[tilespmem:$0x1DA08] =	vst v63  }
0xca: {  	s10 =	simm.s32 $0x40;
	s11 =	simm.s32 $0x0  }
.LBB2_2:
0xcb: {  	p3 =	sne.s32 s10, $0xF80;
	[tilespmem:s11+$0x1CC08] =	vst v1;
	s11 =	smov.u32 s10;
	s10 =	sadd.s32 $0x40, s10  }
.Ltmp2:
0xcc: {  	(pc) =	sbr.rel @p3 .LBB2_2-.Ltmp2, $2  }
0xcd: {  	_ =	sdelay $0x2  }
0xce: {  	s11 =	sshra.s32 s11, $0x2  }
0xcf: {  	s10 =	simm.s32 $0x0  }
0xd0: {  	s13 =	sand.u32 $0x1E00, s10  }
0xd1: {  	s15 =	sand.u32 $0x70, s10;
	s16 =	sshrl.u32 s13, $0x2  }
0xd2: {  	[tilespmem:s11+$0x1CC08] =	vst v1;
	s13 =	simm.s32 $0x40;
	s11 =	sor.u32 s15, s16  }
.LBB2_4:
0xd3: {  	p3 =	sne.s32 s13, $0x1FC0  }
0xd4: {  	[tilespmem:s11+$0x1D008] =	vst v2;
	s10 =	sadd.s32 $0x10, s10;
	s11 =	smov.u32 s13;
	s13 =	sadd.s32 $0x40, s13  }
.Ltmp3:
0xd5: {  	(pc) =	sbr.rel @p3 .LBB2_4-.Ltmp3, $4  }
0xd6: {  	_ = 	snop  }
0xd7: {  	s11 =	sand.u32 $0x1E00, s11  }
0xd8: {  	s15 =	sand.u32 $0x70, s10;
	s11 =	sshrl.u32 s11, $0x2  }
0xd9: {  	s11 =	sor.u32 s15, s11  }
0xda: {  	[tilespmem:s11+$0x1D008] =	vst v2;
	s10 =	simm.s32 $0x40;
	s11 =	simm.s32 $0x0  }
.LBB2_6:
0xdb: {  	p3 =	sne.s32 s10, $0x9C00;
	[tilespmem:s11+$0xA188] =	vst v4;
	s11 =	smov.u32 s10;
	s10 =	sadd.s32 $0x40, s10  }
.Ltmp4:
0xdc: {  	(pc) =	sbr.rel @p3 .LBB2_6-.Ltmp4, $2  }
0xdd: {  	_ =	sdelay $0x2  }
0xde: {  	s11 =	sshra.s32 s11, $0x2  }
0xdf: {  	[tilespmem:s11+$0xA188] =	vst v4;
	s10 =	simm.s32 @!p1 $0x1CC08;
	s11 =	rddreg [dreg:$0x18]  }
0xe0: {  	[spmem:s11] =	stream.linear.scatter @!p1 [tilespmem:s10], [sflag:$0x5], $0x58, $0x38;
	[tilespmem:$0x1DA08] =	vst v63  }
0xe1: {  	s10 =	simm.s32 @!p1 $0x5  }
0xe2: {  	_ =	swait.ge @!p1 [sflag:s10], $0x58  }
0xe3: {  	[sflag:s10] =	ssyncset.done @!p1 $0x0  }
0xe4: {  	s11 =	rddreg [dreg:$0xa];
	[sflag:s10] =	ssyncadd.s32 @!p1 $0xFFFFFFA8;
	s10 =	simm.s32 @!p0 $0x1CC08  }
0xe5: {  	[spmem:s11] =	stream.linear.scatter @!p0 [tilespmem:s10], [sflag:$0x5], $0x3F0, $0x38;
	[tilespmem:$0x1DA08] =	vst v63  }
0xe6: {  	s10 =	simm.s32 @!p0 $0x5  }
0xe7: {  	_ =	swait.ge @!p0 [sflag:s10], $0x3F0  }
0xe8: {  	[sflag:s10] =	ssyncset.done @!p0 $0x0  }
0xe9: {  	s11 =	rddreg [dreg:$0xb];
	[sflag:s10] =	ssyncadd.s32 @!p0 $0xFFFFFC10  }
0xea: {  	[spmem:s11] =	stream.linear.scatter [tilespmem:s17], [sflag:$0x5], $0x800, $0x38;
	[tilespmem:$0x1DA08] =	vst v63  }
0xeb: {  	_ =	swait.ge [sflag:s19], $0x800  }
0xec: {  	[sflag:s19] =	ssyncset.done $0x0  }
0xed: {  	s13 =	rddreg [dreg:$0x1a];
	[sflag:s19] =	ssyncadd.s32 $0xFFFFF800  }
0xee: {  	[spmem:s13] =	stream.linear.scatter [tilespmem:s17], [sflag:$0x5], $0x800, $0x38;
	[tilespmem:$0x1DA08] =	vst v63  }
0xef: {  	_ =	swait.ge [sflag:s19], $0x800  }
0xf0: {  	[sflag:s19] =	ssyncset.done $0x0  }
0xf1: {  	s15 =	rddreg [dreg:$0x1b];
	[sflag:s19] =	ssyncadd.s32 $0xFFFFF800  }
0xf2: {  	[spmem:s15] =	stream.linear.scatter [tilespmem:s17], [sflag:$0x5], $0x800, $0x38;
	[tilespmem:$0x1DA08] =	vst v63  }
0xf3: {  	_ =	swait.ge [sflag:s19], $0x800  }
0xf4: {  	[sflag:s19] =	ssyncset.done $0x0  }
0xf5: {  	s16 =	rddreg [dreg:$0x1c];
	[sflag:s19] =	ssyncadd.s32 $0xFFFFF800  }
0xf6: {  	[spmem:s16] =	stream.linear.scatter [tilespmem:s17], [sflag:$0x5], $0x800, $0x38;
	[tilespmem:$0x1DA08] =	vst v63  }
0xf7: {  	_ =	swait.ge [sflag:s19], $0x800  }
0xf8: {  	[sflag:s19] =	ssyncset.done $0x0  }
0xf9: {  	s24 =	rddreg [dreg:$0x1d];
	[sflag:s19] =	ssyncadd.s32 $0xFFFFF800  }
0xfa: {  	[spmem:s24] =	stream.linear.scatter [tilespmem:s17], [sflag:$0x5], $0x800, $0x38;
	[tilespmem:$0x1DA08] =	vst v63  }
0xfb: {  	_ =	swait.ge [sflag:s19], $0x800  }
0xfc: {  	[sflag:s19] =	ssyncset.done $0x0  }
0xfd: {  	s11 =	rddreg [dreg:$0x1e];
	[sflag:s19] =	ssyncadd.s32 $0xFFFFF800  }
0xfe: {  	[spmem:s11] =	stream.linear.scatter [tilespmem:s17], [sflag:$0x5], $0x800, $0x38;
	[tilespmem:$0x1DA08] =	vst v63  }
0xff: {  	_ =	swait.ge [sflag:s19], $0x800  }
0x100: {  	[sflag:s19] =	ssyncset.done $0x0  }
0x101: {  	s13 =	rddreg [dreg:$0x1f];
	[sflag:s19] =	ssyncadd.s32 $0xFFFFF800  }
0x102: {  	[spmem:s13] =	stream.linear.scatter [tilespmem:s17], [sflag:$0x5], $0x800, $0x38;
	[tilespmem:$0x1DA08] =	vst v63  }
0x103: {  	_ =	swait.ge [sflag:s19], $0x800  }
0x104: {  	s15 =	sld [smem:$0x7FB]  }
0x105: {  	[sflag:s19] =	ssyncset.done $0x0  }
0x106: {  	[sflag:s19] =	ssyncadd.s32 $0xFFFFF800  }
0x107: {  	[spmem:s15] =	stream.linear.scatter [tilespmem:s17], [sflag:$0x5], $0x800, $0x38;
	[tilespmem:$0x1DA08] =	vst v63  }
0x108: {  	_ =	swait.ge [sflag:s19], $0x800  }
0x109: {  	s16 =	sld [smem:$0x7FC]  }
0x10a: {  	[sflag:s19] =	ssyncset.done $0x0  }
0x10b: {  	[sflag:s19] =	ssyncadd.s32 $0xFFFFF800  }
0x10c: {  	[spmem:s16] =	stream.linear.scatter [tilespmem:s17], [sflag:$0x5], $0x800, $0x38;
	[tilespmem:$0x1DA08] =	vst v63  }
0x10d: {  	_ =	swait.ge [sflag:s19], $0x800  }
0x10e: {  	s24 =	sld [smem:$0x7FD]  }
0x10f: {  	[sflag:s19] =	ssyncset.done $0x0  }
0x110: {  	[sflag:s19] =	ssyncadd.s32 $0xFFFFF800  }
0x111: {  	[spmem:s24] =	stream.linear.scatter [tilespmem:s17], [sflag:$0x5], $0x800, $0x38;
	[tilespmem:$0x1DA08] =	vst v63  }
0x112: {  	_ =	swait.ge [sflag:s19], $0x800  }
0x113: {  	[sflag:s19] =	ssyncset.done $0x0  }
0x114: {  	s10 =	simm.s32 @!p2 $0x1D008;
	s11 =	rddreg [dreg:$0x19];
	[sflag:s19] =	ssyncadd.s32 $0xFFFFF800  }
0x115: {  	[spmem:s11] =	stream.linear.scatter @!p2 [tilespmem:s10], [sflag:$0x5], $0x400, $0x38;
	[tilespmem:$0x1DA08] =	vst v63  }
0x116: {  	s10 =	simm.s32 @!p2 $0x5  }
0x117: {  	_ =	swait.ge @!p2 [sflag:s10], $0x400  }
0x118: {  	[sflag:s10] =	ssyncset.done @!p2 $0x0  }
0x119: {  	[sflag:s10] =	ssyncadd.s32 @!p2 $0xFFFFFC00  }
0x11a: {  	_ =	swait.ge [sflag:s21], $0x2710  }
0x11b: {  	[sflag:s21] =	ssyncset.done $0x0  }
0x11c: {  	[sflag:s21] =	ssyncadd.s32 $0xFFFFD8F0  }
0x11d: {  	_ =	swait.ge [sflag:s21], $0x2710  }
0x11e: {  	[sflag:s21] =	ssyncset.done $0x0  }
0x11f: {  	[sflag:s21] =	ssyncadd.s32 $0xFFFFD8F0  }
0x120: {  	_ =	swait.ge [sflag:s21], $0x1380  }
0x121: {  	[sflag:s21] =	ssyncset.done $0x0  }
0x122: {  	[sflag:s21] =	ssyncadd.s32 $0xFFFFEC80  }
0x123: {  	_ =	swait.ge [sflag:s21], $0x10  }
0x124: {  	[sflag:s21] =	ssyncset.done $0x0  }
0x125: {  	[sflag:s21] =	ssyncadd.s32 $0xFFFFFFF0  }
0x126: {  	[tilespmem:$0xDC98] =	vst v5  }
0x127: {  	v6 =	vld [tilespmem:$0xDC88];
	[tilespmem:$0xDCA8] =	vst v5  }
0x128: {  	[tilespmem:$0xDCB8] =	vst v5  }
0x129: {  	[tilespmem:$0xDCC8] =	vst v5  }
0x12a: {  	[tilespmem:$0xDCD8] =	vst v5  }
0x12b: {  	[tilespmem:$0xDCE8] =	vst v5  }
0x12c: {  	[tilespmem:$0xDCF8] =	vst v5;
	v6 =	vnsel vm0, $0x0, v6  }
0x12d: {  	s10 =	simm.s32 $0xC908;
	[tilespmem:$0xDC88] =	vst v6  }
0x12e: {  	s13 =	simm.s32 $0x0;
	s15 =	simm.s32 $0x10;
	v6 =	vld [tilespmem:s10+$0x0]  }
.LBB2_8:
0x12f: {  	p3 =	sne.s32 s15, $0x13F0;
	_ =	sdelay $0x3  }
.Ltmp5:
0x130: {  	(pc) =	sbr.rel @p3 .LBB2_8-.Ltmp5, $4  }
0x131: {  	_ = 	snop  }
0x132: {  	v7 =	vor.u32 s13, v0;
	s13 =	smov.u32 s15  }
0x133: {  	s10 =	sadd.s32 $0x10, s10;
	[tilespmem:v6+s22+$0x0] =	vst.idx.msk $0xffff, v7  }
0x134: {  	s15 =	sadd.s32 $0x10, s15;
	v6 =	vld [tilespmem:s10+$0x0]  }
0x135: {  	_ =	sdelay $0x6  }
0x136: {  	v7 =	vor.u32 s13, v0  }
0x137: {  	[tilespmem:v6+s22+$0x0] =	vst.idx.msk $0xffff, v7  }
0x138: {  	v6 =	vld [tilespmem:s12+$0xC908];
	_ =	sdelay $0x4  }
0x139: {  	[tilespmem:$0x1D808] =	vst v6  }
0x13a: {  	v6 =	vld [tilespmem:s12+$0xC918];
	_ =	sdelay $0x4  }
0x13b: {  	[tilespmem:$0x1D818] =	vst v6  }
0x13c: {  	v6 =	vld [tilespmem:s12+$0xC928];
	_ =	sdelay $0x4  }
0x13d: {  	[tilespmem:$0x1D828] =	vst v6  }
0x13e: {  	v6 =	vld [tilespmem:s12+$0xC938];
	_ =	sdelay $0x4  }
0x13f: {  	[tilespmem:$0x1D838] =	vst v6  }
0x140: {  	v6 =	vld [tilespmem:s12+$0xC948];
	_ =	sdelay $0x4  }
0x141: {  	s11 =	simm.s32 $0x1D808;
	[tilespmem:$0x1D848] =	vst v6  }
0x142: {  	[tilespmem:s26], [sflag:$0x2] =	stream.indirect.gather [hbm4b:s0+s23], $0x80, s11, s23, $0xb8;
	[tilespmem:$0x1DA08] =	vst v63  }
0x143: {  	_ =	swait.ge [sflag:s21], $0x2800  }
0x144: {  	[sflag:s21] =	ssyncset.done $0x0  }
0x145: {  	s10 =	rddreg [dreg:$0x15];
	[sflag:s21] =	ssyncadd.s32 $0xFFFFD800  }
0x146: {  	[spmem:s10] =	stream.linear.scatter [tilespmem:s26], [sflag:$0x5], $0x2800, $0x38;
	[tilespmem:$0x1DA08] =	vst v63  }
0x147: {  	_ =	swait.ge [sflag:s19], $0x2800  }
0x148: {  	[sflag:s19] =	ssyncset.done $0x0  }
0x149: {  	[sflag:s19] =	ssyncadd.s32 $0xFFFFD800  }
0x14a: {  	v6 =	vld [tilespmem:s25+$0xC908];
	_ =	sdelay $0x4  }
0x14b: {  	[tilespmem:$0x1D808] =	vst v6  }
0x14c: {  	v6 =	vld [tilespmem:s25+$0xC918];
	_ =	sdelay $0x4  }
0x14d: {  	[tilespmem:$0x1D818] =	vst v6  }
0x14e: {  	v6 =	vld [tilespmem:s25+$0xC928];
	_ =	sdelay $0x4  }
0x14f: {  	[tilespmem:$0x1D828] =	vst v6  }
0x150: {  	v6 =	vld [tilespmem:s25+$0xC938];
	_ =	sdelay $0x4  }
0x151: {  	[tilespmem:$0x1D838] =	vst v6  }
0x152: {  	v6 =	vld [tilespmem:s25+$0xC948];
	_ =	sdelay $0x4  }
0x153: {  	[tilespmem:$0x1D848] =	vst v6  }
0x154: {  	[tilespmem:s26], [sflag:$0x2] =	stream.indirect.gather [hbm4b:s0+s23], $0x80, s11, s23, $0xb8;
	[tilespmem:$0x1DA08] =	vst v63  }
0x155: {  	_ =	swait.ge [sflag:s21], $0x2800  }
0x156: {  	[sflag:s21] =	ssyncset.done $0x0  }
0x157: {  	s13 =	rddreg [dreg:$0x16];
	[sflag:s21] =	ssyncadd.s32 $0xFFFFD800  }
0x158: {  	[spmem:s13] =	stream.linear.scatter [tilespmem:s26], [sflag:$0x5], $0x2800, $0x38;
	[tilespmem:$0x1DA08] =	vst v63  }
0x159: {  	_ =	swait.ge [sflag:s19], $0x2800  }
0x15a: {  	[sflag:s19] =	ssyncset.done $0x0  }
0x15b: {  	s15 =	simm.s32 $0x0;
	[sflag:s19] =	ssyncadd.s32 $0xFFFFD800  }
0x15c: {  	v6 =	vld [tilespmem:s15+$0x10488];
	_ =	sdelay $0x7  }
0x15d: {  	v6 =	vld.idx.msk [tilespmem:v6+s22+$0x0], $0xffff  }
0x15e: {  	v7 =	vld [tilespmem:s15+$0xDD08];
	_ =	sdelay $0x3  }
0x15f: {  	s16 =	simm.s32 $0x0;
	vm1 =	vlt.s32 v6, $0x1400  }
0x160: {  	[tilespmem:s16+$0x12C08] =	vst.msk vm1, v7  }
0x161: {  	v7 =	vmpcnt.ones.xlane vm1;
	[tilespmem:s16+$0x15388] =	vst.msk vm1, v6  }
0x162: {  	v6 =	vld [tilespmem:s15+$0x10498]  }
0x163: {  	(v2sf) =	vpush v7, $0x0;
	_ =	sdelay $0x6  }
0x164: {  	v6 =	vld.idx.msk [tilespmem:v6+s22+$0x0], $0xffff;
	_ =	sdelay $0x4  }
0x165: {  	v8 =	vld [tilespmem:s15+$0xDD18];
	vm1 =	vlt.s32 v6, $0x1400  }
0x166: {  	v7 =	vmpcnt.ones.xlane vm1;
	_ =	sdelay $0x1  }
0x167: {  	s24 =	spop (v2sf);
	(v2sf) =	vpush v7, $0x0  }
0x168: {  	s15 =	sadd.s32 $0x0, s24  }
0x169: {  	[tilespmem:s15+$0x12C08] =	vst.msk vm1, v8  }
0x16a: {  	s10 =	simm.s32 $0x20;
	[tilespmem:s15+$0x15388] =	vst.msk vm1, v6  }
0x16b: {  	v6 =	vld [tilespmem:s10+$0x10488];
	_ =	sdelay $0x7  }
0x16c: {  	v6 =	vld.idx.msk [tilespmem:v6+s22+$0x0], $0xffff  }
0x16d: {  	v7 =	vld [tilespmem:s10+$0xDD08];
	_ =	sdelay $0x1  }
0x16e: {  	s13 =	simm.s32 $0x100;
	s11 =	spop (v2sf)  }
.LBB2_10:
0x16f: {  	p3 =	sne.s32 s13, $0x9B80  }
0x170: {  	vm1 =	vlt.s32 v6, $0x1400;
	s11 =	sadd.s32 s15, s11;
	s16 =	smov.u32 s13;
	s13 =	sadd.s32 $0x80, s13  }
0x171: {  	[tilespmem:s11+$0x12C08] =	vst.msk vm1, v7;
	v7 =	vmpcnt.ones.xlane vm1  }
0x172: {  	[tilespmem:s11+$0x15388] =	vst.msk vm1, v6  }
0x173: {  	v6 =	vld [tilespmem:s10+$0x10498];
	(v2sf) =	vpush v7, $0x0;
	_ =	sdelay $0x7  }
0x174: {  	v6 =	vld.idx.msk [tilespmem:v6+s22+$0x0], $0xffff;
	_ =	sdelay $0x3  }
0x175: {  	v7 =	vld [tilespmem:s10+$0xDD18];
	_ =	sdelay $0x1  }
0x176: {  	vm1 =	vlt.s32 v6, $0x1400  }
0x177: {  	v8 =	vmpcnt.ones.xlane vm1;
	s10 =	spop (v2sf)  }
0x178: {  	s15 =	sadd.s32 s11, s10  }
0x179: {  	[tilespmem:s15+$0x12C08] =	vst.msk vm1, v7;
	(v2sf) =	vpush v8, $0x0  }
0x17a: {  	s10 =	sshra.s32 s16, $0x2;
	[tilespmem:s15+$0x15388] =	vst.msk vm1, v6  }
0x17b: {  	v6 =	vld [tilespmem:s10+$0x10488];
	_ =	sdelay $0x7  }
0x17c: {  	v6 =	vld.idx.msk [tilespmem:v6+s22+$0x0], $0xffff  }
.Ltmp6:
0x17d: {  	(pc) =	sbr.rel @p3 .LBB2_10-.Ltmp6, $2  }
0x17e: {  	v7 =	vld [tilespmem:s10+$0xDD08];
	_ =	sdelay $0x2  }
0x17f: {  	s11 =	spop (v2sf)  }
0x180: {  	vm1 =	vlt.s32 v6, $0x1400  }
0x181: {  	v8 =	vmpcnt.ones.xlane vm1;
	_ =	sdelay $0x1  }
0x182: {  	s11 =	sadd.s32 s15, s11;
	(v2sf) =	vpush v8, $0x0  }
0x183: {  	[tilespmem:s11+$0x12C08] =	vst.msk vm1, v7  }
0x184: {  	[tilespmem:s11+$0x15388] =	vst.msk vm1, v6  }
0x185: {  	v6 =	vld [tilespmem:s10+$0x10498];
	_ =	sdelay $0x7  }
0x186: {  	v6 =	vld.idx.msk [tilespmem:v6+s22+$0x0], $0xffff  }
0x187: {  	v7 =	vld [tilespmem:s10+$0xDD18];
	_ =	sdelay $0x2  }
0x188: {  	s15 =	spop (v2sf)  }
0x189: {  	vm1 =	vlt.s32 v6, $0x1400;
	s10 =	sadd.s32 s11, s15  }
0x18a: {  	[tilespmem:s10+$0x12C08] =	vst.msk vm1, v7  }
0x18b: {  	[tilespmem:s10+$0x15388] =	vst.msk vm1, v6  }
0x18c: {  	v6 =	vld [tilespmem:$0x12B88];
	_ =	sdelay $0x7  }
0x18d: {  	v6 =	vld.idx.msk [tilespmem:v6+s22+$0x0], $0xffff;
	_ =	sdelay $0x4  }
0x18e: {  	v7 =	vmpcnt.ones.xlane vm1;
	vm1 =	vlt.s32 v6, $0x1400  }
0x18f: {  	v63 =	vmpcnt.ones.xlane vm1  }
0x190: {  	(v2sf) =	vpush v7, $0x0  }
0x191: {  	(v2sf) =	vpush v63, $0x0;
	_ =	sdelay $0xd  }
0x192: {  	s16 =	spop (v2sf)  }
0x193: {  	s11 =	sadd.s32 s10, s16;
	s24 =	spop (v2sf)  }
0x194: {  	s15 =	sadd.s32 s11, s24  }
0x195: {  	s10 =	sadd.s32 $0x4F, s15  }
0x196: {  	s13 =	smulhi.u32 $0x66666667, s10;
	s16 =	sshra.s32 s10, $0x1F  }
0x197: {  	s16 =	smul.u32 $0x66666667, s16;
	_ =	sdelay $0x1  }
0x198: {  	s13 =	sadd.s32 s16, s13  }
0x199: {  	s16 =	sshrl.u32 s13, $0x1F;
	s13 =	sshra.s32 s13, $0x5  }
0x19a: {  	s13 =	sadd.s32 s16, s13  }
0x19b: {  	s16 =	smul.u32 $0xFFFFFFB0, s13  }
0x19c: {  	s24 =	ssub.s32 $0xFFFFFFB1, s15  }
0x19d: {  	p4 =	slt.s32 s10, $0x1;
	p3 =	sne.s32 s16, s24  }
0x19e: {  	p3 =	por !p4, !p3  }
0x19f: {  	s10 =	simm.s32 $0x1;
	p3 =	por !p3, !p3  }
0x1a0: {  	s10 =	simm.s32 @!p3 $0x0  }
0x1a1: {  	s10 =	ssub.s32 s13, s10  }
0x1a2: {  	s13 =	smul.u32 $0x50, s10  }
0x1a3: {  	v7 =	vld [tilespmem:$0x10408]  }
0x1a4: {  	p3 =	sge.s32 s15, s13  }
.Ltmp7:
0x1a5: {  	_ = 	snop;
	(pc) =	sbr.rel @p3 .LBB2_15-.Ltmp7, $3  }
0x1a6: {  	_ =	sdelay $0x1  }
0x1a7: {  	[tilespmem:s11+$0x12C08] =	vst.msk vm1, v7  }
0x1a8: {  	[tilespmem:s11+$0x15388] =	vst.msk vm1, v6  }
0x1a9: {  	s11 =	sshll.u32 s15, $0x2;
	s15 =	sadd.s32 $0x10, s15  }
0x1aa: {  	p3 =	slt.s32 s15, s13  }
.Ltmp8:
0x1ab: {  	_ = 	snop;
	(pc) =	sbr.rel @!p3 .LBB2_14-.Ltmp8, $4  }
0x1ac: {  	_ = 	snop  }
0x1ad: {  	s11 =	sshra.s32 s11, $0x2  }
0x1ae: {  	s16 =	sadd.s32 $0x12C08, s11  }
0x1af: {  	s24 =	sadd.s32 $0x15388, s11;
	[tilespmem:s16+$0x0] =	vst v3  }
.LBB2_13:
0x1b0: {  	s15 =	sadd.s32 $0x10, s15  }
0x1b1: {  	[tilespmem:s24+$0x0] =	vst v4;
	s24 =	sadd.s32 $0x10, s24;
	s16 =	sadd.s32 $0x10, s16;
	p3 =	slt.s32 s15, s13  }
.Ltmp9:
0x1b2: {  	(pc) =	sbr.rel @p3 .LBB2_13-.Ltmp9, $2  }
0x1b3: {  	_ =	sdelay $0x2  }
0x1b4: {  	[tilespmem:s16+$0x0] =	vst v3  }
.LBB2_14:
0x1b5: {  	[tilespmem:s24+$0x0] =	vst v4  }
.LBB2_15:
0x1b6: {  	p3 =	slt.s32 s10, $0x1  }
.Ltmp10:
0x1b7: {  	_ = 	snop;
	(pc) =	sbr.rel @p3 .LBB2_22-.Ltmp10, $2  }
0x1b8: {  	_ =	sdelay $0x1  }
0x1b9: {  	[bflag:$0x0] =	sbarrier.arrive $0xFFFF;
	_ =	sdelay $0x1  }
0x1ba: {  	v6 =	vld [tilespmem:$0x15388]  }
0x1bb: {  	v7 =	vld [tilespmem:$0x15398]  }
0x1bc: {  	v8 =	vld [tilespmem:$0x153A8]  }
0x1bd: {  	v9 =	vld [tilespmem:$0x153B8]  }
0x1be: {  	v10 =	vld [tilespmem:$0x153C8]  }
0x1bf: {  	p3 =	sne.s32 s10, $0x1;
	[tilespmem:$0x17B08] =	vst v6  }
.Ltmp11:
0x1c0: {  	[tilespmem:$0x17B18] =	vst v7;
	(pc) =	sbr.rel @!p3 .LBB2_17-.Ltmp11, $4  }
0x1c1: {  	[tilespmem:$0x17B28] =	vst v8  }
0x1c2: {  	[tilespmem:$0x17B38] =	vst v9  }
0x1c3: {  	s11 =	simm.s32 $0x12C08;
	[tilespmem:$0x17B48] =	vst v10  }
0x1c4: {  	[tilespmem:s26], [sflag:$0x2] =	stream.indirect.gather [hbm4b:s0+s23], $0x80, s11, s23, $0xb8;
	[tilespmem:$0x1DA08] =	vst v63  }
0x1c5: {  	v6 =	vld [tilespmem:$0x153D8]  }
0x1c6: {  	v7 =	vld [tilespmem:$0x153E8]  }
0x1c7: {  	v8 =	vld [tilespmem:$0x153F8]  }
0x1c8: {  	v9 =	vld [tilespmem:$0x15408]  }
0x1c9: {  	v10 =	vld [tilespmem:$0x15418]  }
0x1ca: {  	[tilespmem:$0x17B88] =	vst v6  }
0x1cb: {  	[tilespmem:$0x17B98] =	vst v7  }
0x1cc: {  	[tilespmem:$0x17BA8] =	vst v8  }
0x1cd: {  	[tilespmem:$0x17BB8] =	vst v9  }
0x1ce: {  	[tilespmem:$0x17BC8] =	vst v10  }
0x1cf: {  	_ =	swait.ge [sflag:s21], $0x2800  }
0x1d0: {  	[sflag:s21] =	ssyncset.done $0x0  }
0x1d1: {  	s1 =	simm.s32 $0x12C58;
	[sflag:s21] =	ssyncadd.s32 $0xFFFFD800  }
0x1d2: {  	[tilespmem:s8], [sflag:$0x2] =	stream.indirect.gather [hbm4b:s0+s23], $0x80, s1, s23, $0xb8;
	[tilespmem:$0x1DA08] =	vst v63  }
0x1d3: {  	s2 =	simm.s32 $0x17B08  }
0x1d4: {  	[spmem:s4] =	stream.indirect.scatter.add.f32 [tilespmem:s26], [sflag:$0x3], $0x80, s2, s23, $0xb8;
	[tilespmem:$0x1DA08] =	vst v63  }
0x1d5: {  	_ = 	snop  }
0x1d6: {  	[spmem:s5] =	stream.indirect.scatter.add.f32 [tilespmem:s29], [sflag:$0x4], $0x1, s2, s23, $0xb8;
	[tilespmem:$0x1DA08] =	vst v63  }
0x1d7: {  	_ =	swait.ge [sflag:s30], $0x2800  }
0x1d8: {  	[sflag:s30] =	ssyncset.done $0x0  }
0x1d9: {  	[sflag:s30] =	ssyncadd.s32 $0xFFFFD800  }
0x1da: {  	s13 =	sadd.s32 $0xFFFFFFFF, s10;
	_ =	swait.ge [sflag:s31], $0x50  }
0x1db: {  	p3 =	sle.s32 s13, $0x1;
	[sflag:s31] =	ssyncset.done $0x0  }
0x1dc: {  	s11 =	simm.s32 @p3 $0x2;
	[sflag:s31] =	ssyncadd.s32 $0xFFFFFFB0  }
0x1dd: {  	_ =	swait.ge @p3 [sflag:s11], $0x2800  }
0x1de: {  	[sflag:s11] =	ssyncset.done @p3 $0x0  }
0x1df: {  	s15 =	simm.s32 $0x15468;
	[sflag:s11] =	ssyncadd.s32 @p3 $0xFFFFD800  }
0x1e0: {  	v6 =	vld @!p3 [tilespmem:s15+$0xFFFFFFC0]  }
0x1e1: {  	s3 =	simm.s32 $0x1  }
0x1e2: {  	s11 =	sand.u32 $0x1, s3  }
0x1e3: {  	s16 =	sxor.u32 @!p3 $0x1, s11  }
0x1e4: {  	s24 =	sshll.u32 @!p3 s16, $0x7  }
0x1e5: {  	[tilespmem:s24+$0x17B08] =	vst @!p3 v6  }
0x1e6: {  	v6 =	vld @!p3 [tilespmem:s15+$0xFFFFFFD0];
	_ =	sdelay $0x4  }
0x1e7: {  	[tilespmem:s24+$0x17B18] =	vst @!p3 v6  }
0x1e8: {  	v6 =	vld @!p3 [tilespmem:s15+$0xFFFFFFE0];
	_ =	sdelay $0x4  }
0x1e9: {  	[tilespmem:s24+$0x17B28] =	vst @!p3 v6  }
0x1ea: {  	v6 =	vld @!p3 [tilespmem:s15+$0xFFFFFFF0];
	_ =	sdelay $0x4  }
0x1eb: {  	[tilespmem:s24+$0x17B38] =	vst @!p3 v6  }
0x1ec: {  	v6 =	vld @!p3 [tilespmem:s15+$0x0];
	_ =	sdelay $0x4  }
0x1ed: {  	s15 =	smul.u32 @!p3 $0xA000, s16;
	[tilespmem:s24+$0x17B48] =	vst @!p3 v6;
	s24 =	simm.s32 @!p3 $0x2  }
0x1ee: {  	_ =	swait.ge @!p3 [sflag:s24], $0x2800  }
0x1ef: {  	s16 =	simm.s32 $0x12CA8;
	s15 =	sshrl.u32 @!p3 s15, $0x2;
	[sflag:s24] =	ssyncset.done @!p3 $0x0  }
0x1f0: {  	s15 =	sadd.s32 @!p3 $0x17C08, s15;
	[sflag:s24] =	ssyncadd.s32 @!p3 $0xFFFFD800;
	s24 =	simm.s32 @!p3 $0x50  }
0x1f1: {  	[tilespmem:s15], [sflag:$0x2] =	stream.indirect.gather @!p3 [hbm4b:s0+s24], $0x80, s16, s24, $0xb8;
	[tilespmem:$0x1DA08] =	vst v63  }
0x1f2: {  	s8 =	smul.u32 $0xA000, s11;
	p3 =	sne.s32 s10, $0x2  }
.Ltmp12:
0x1f3: {  	_ = 	snop;
	(pc) =	sbr.rel @!p3 .LBB2_20-.Ltmp12, $4  }
0x1f4: {  	s11 =	sshll.u32 s11, $0x7;
	s1 =	sshrl.u32 s8, $0x2  }
0x1f5: {  	s11 =	sor.u32 $0x17B08, s11;
	s1 =	sadd.s32 $0x17C08, s1  }
0x1f6: {  	s24 =	simm.s32 $0x2;
	s15 =	simm.s32 $0x12CF8;
	s16 =	simm.s32 $0x154B8  }
0x1f7: {  	[spmem:s4] =	stream.indirect.scatter.add.f32 [tilespmem:s1], [sflag:$0x3], $0x80, s11, s23, $0xb8;
	[tilespmem:$0x1DA08] =	vst v63  }
.LBB2_19:
0x1f8: {  	[spmem:s5] =	stream.indirect.scatter.add.f32 [tilespmem:s29], [sflag:$0x4], $0x1, s11, s23, $0xb8;
	[tilespmem:$0x1DA08] =	vst v63  }
0x1f9: {  	s1 =	smov.u32 s24;
	s24 =	sadd.s32 $0x1, s24;
	_ =	swait.ge [sflag:s30], $0x2800  }
0x1fa: {  	p3 =	sne.s32 s10, s24;
	[sflag:s30] =	ssyncset.done $0x0  }
0x1fb: {  	[sflag:s30] =	ssyncadd.s32 $0xFFFFD800  }
0x1fc: {  	_ =	swait.ge [sflag:s31], $0x50  }
0x1fd: {  	s11 =	sand.u32 $0x1, s1;
	p4 =	sge.s32 s1, s13;
	[sflag:s31] =	ssyncset.done $0x0  }
0x1fe: {  	s1 =	simm.s32 @p4 $0x2;
	s8 =	sxor.u32 @!p4 $0x1, s11;
	[sflag:s31] =	ssyncadd.s32 $0xFFFFFFB0  }
0x1ff: {  	s3 =	sshll.u32 s11, $0x7;
	s2 =	smul.u32 @!p4 $0xA000, s8;
	_ =	swait.ge @p4 [sflag:s1], $0x2800  }
0x200: {  	s11 =	smul.u32 $0xA000, s11;
	[sflag:s1] =	ssyncset.done @p4 $0x0  }
0x201: {  	[sflag:s1] =	ssyncadd.s32 @p4 $0xFFFFD800;
	s1 =	sshrl.u32 @!p4 s2, $0x2  }
0x202: {  	s2 =	sshrl.u32 s11, $0x2;
	v6 =	vld @!p4 [tilespmem:s16+$0xFFFFFFC0];
	s1 =	sadd.s32 @!p4 $0x17C08, s1;
	_ =	sdelay $0x3  }
0x203: {  	s8 =	sshll.u32 @!p4 s8, $0x7  }
0x204: {  	[tilespmem:s8+$0x17B08] =	vst @!p4 v6  }
0x205: {  	v6 =	vld @!p4 [tilespmem:s16+$0xFFFFFFD0];
	_ =	sdelay $0x4  }
0x206: {  	[tilespmem:s8+$0x17B18] =	vst @!p4 v6  }
0x207: {  	v6 =	vld @!p4 [tilespmem:s16+$0xFFFFFFE0];
	_ =	sdelay $0x4  }
0x208: {  	[tilespmem:s8+$0x17B28] =	vst @!p4 v6  }
0x209: {  	v6 =	vld @!p4 [tilespmem:s16+$0xFFFFFFF0];
	_ =	sdelay $0x4  }
0x20a: {  	[tilespmem:s8+$0x17B38] =	vst @!p4 v6  }
0x20b: {  	v6 =	vld @!p4 [tilespmem:s16+$0x0];
	_ =	sdelay $0x4  }
0x20c: {  	[tilespmem:s8+$0x17B48] =	vst @!p4 v6;
	s8 =	simm.s32 @!p4 $0x2  }
0x20d: {  	_ =	swait.ge @!p4 [sflag:s8], $0x2800  }
0x20e: {  	[sflag:s8] =	ssyncset.done @!p4 $0x0  }
.Ltmp13:
0x20f: {  	[sflag:s8] =	ssyncadd.s32 @!p4 $0xFFFFD800;
	s8 =	simm.s32 @!p4 $0x50;
	(pc) =	sbr.rel @p3 .LBB2_19-.Ltmp13, $4  }
0x210: {  	[tilespmem:s1], [sflag:$0x2] =	stream.indirect.gather @!p4 [hbm4b:s0+s8], $0x80, s15, s8, $0xb8;
	[tilespmem:$0x1DA08] =	vst v63  }
0x211: {  	s11 =	sor.u32 $0x17B08, s3;
	s1 =	sadd.s32 $0x17C08, s2  }
0x212: {  	[spmem:s4] =	stream.indirect.scatter.add.f32 [tilespmem:s1], [sflag:$0x3], $0x80, s11, s23, $0xb8;
	[tilespmem:$0x1DA08] =	vst v63  }
0x213: {  	s16 =	sadd.s32 $0x50, s16;
	s15 =	sadd.s32 $0x50, s15  }
.LBB2_20:
.Ltmp14:
0x214: {  	(pc) =	sbr.rel .LBB2_21-.Ltmp14, $4  }
0x215: {  	[spmem:s5] =	stream.indirect.scatter.add.f32 [tilespmem:s29], [sflag:$0x4], $0x1, s11, s23, $0xb8;
	[tilespmem:$0x1DA08] =	vst v63  }
0x216: {  	s1 =	rddreg [dreg:$0x3]  }
0x217: {  	s2 =	rddreg [dreg:$0x8]  }
0x218: {  	s3 =	rddreg [dreg:$0x9]  }
.LBB2_23:
0x219: {  	_ =	sfence.sel $0x180000  }
0x21a: {  	[bflag:$0x0] =	sbarrier.arrive $0xFFFF  }
0x21b: {  	_ =	strace $0x90000047  }
0x21c: {  	s0 =	stileid.u32;
	[bflag:$0x2] =	sbarrier.arrive $0xFFFF  }
0x21d: {  	p0 =	sne.s32 s0, $0x0;
	s0 =	rddreg [dreg:$0x7]  }
0x21e: {  	s0 =	sadd.s32 @!p0 $0x100000, s0  }
0x21f: {  	[sflag:s0] =	ssyncadd.tile.s32 @!p0 $0x1;
	_ =	shalt  }
.Lfunc_end2:
_tile_overlayer_lowered:
.L_overlay_start_2:
0x220: {  	(tag) =	ssettag $0x2  }
0x221: {  	s0 =	rddreg [dreg:$0x0];
	s2 =	stileid.u32  }
0x222: {  	s1 =	rddreg [dreg:$0x1];
	p0 =	sne.s32 s2, $0x0  }
0x223: {  	s3 =	rddreg [dreg:$0x2];
	[bflag:$0x3] =	sbarrier.arrive $0xFFFF;
	s2 =	simm.s32 @!p0 $0x1C05  }
0x224: {  	[timem:s3], [sflag:s2] =	dma.local @!p0 [hbm:s0], s1  }
0x225: {  	s0 =	simm.s32 @!p0 $0x5  }
0x226: {  	_ =	swait.ge @!p0 [sflag:s0], s1  }
0x227: {  	s1 =	ssub.s32 @!p0 $0x0, s1;
	[sflag:s0] =	ssyncset.done @!p0 $0x0  }
0x228: {  	[sflag:s0] =	ssyncadd.s32 @!p0 s1  }
0x229: {  	[bflag:$0x3] =	sbarrier.arrive $0xFFFF  }
0x22a: {  	_ =	shalt  }

</sc_bundles>
